<compile_context>
chip_gen: v7x
topology: tpu7x:2x2x1
jax: 0.10.2.dev20260603
libtpu: 0.0.44.dev20260713+nightly
codegen_flags: <defaults>
</compile_context>

<pallas_src>
import functools

import jax
import jax.numpy as jnp
from jax import lax
from jax.experimental import pallas as pl
from jax.experimental.pallas import tpu as pltpu
from jax.experimental.pallas import tpu_sc as plsc

_NUM_CODEBOOKS = 4
_SUB_VOCAB = 250000
_HIDDEN = 64
_BATCH = 16384

_NW = 32
_NS = 16
_TOK_PER_W = _BATCH // _NW
_NBLK = 2
_WB = _TOK_PER_W // _NBLK
_G = 128
_GROUPS = _NUM_CODEBOOKS * _WB // _G
_C0_GROUPS = _WB // _G
_ADD_GROUPS = _GROUPS - _C0_GROUPS

_mesh = plsc.VectorSubcoreMesh(core_axis_name="c", subcore_axis_name="s")


@functools.partial(
    pl.kernel,
    out_type=jax.ShapeDtypeStruct((_BATCH, _HIDDEN), jnp.float32),
    mesh=_mesh,
    compiler_params=pltpu.CompilerParams(use_tc_tiling_on_sc=False),
    scratch_types=[
        pltpu.VMEM((_GROUPS, _G), jnp.int32),
        pltpu.VMEM((_GROUPS * _G, _HIDDEN), jnp.float32),
        pltpu.VMEM_SHARED((_NS * _WB, _HIDDEN), jnp.float32),
    ]
    + [pltpu.VMEM((_G,), jnp.int32) for _ in range(_ADD_GROUPS)]
    + [pltpu.SemaphoreType.DMA],
)
def _embed(table_hbm, idx_hbm, pos_hbm, out_hbm, idx_v, rows_v, acc_sh,
           p0, p1, p2, p3, p4, p5, sem):
    sid = lax.axis_index("s")
    wid = sid * 2 + lax.axis_index("c")
    pos_refs = (p0, p1, p2, p3, p4, p5)
    for j, p in enumerate(pos_refs):
        pltpu.sync_copy(pos_hbm.at[sid, j], p)
    for k in range(_NBLK):
        row = wid * _NBLK + k
        pltpu.sync_copy(idx_hbm.at[row], idx_v)
        copies = []
        for g in range(_GROUPS):
            dst = rows_v.at[pl.ds(g * _G, _G)]
            src = table_hbm.at[g // _C0_GROUPS].at[idx_v.at[g]]
            copies.append(pltpu.async_copy(src, dst, sem))
        for cpy in copies:
            cpy.wait()
        pltpu.sync_copy(rows_v.at[pl.ds(0, _WB)],
                        acc_sh.at[pl.ds(sid * _WB, _WB)])
        for j, p in enumerate(pos_refs):
            pltpu.sync_copy(rows_v.at[pl.ds(_WB + j * _G, _G)],
                            acc_sh.at[p], add=True)
        base = wid * _TOK_PER_W + k * _WB
        pltpu.sync_copy(acc_sh.at[pl.ds(sid * _WB, _WB)],
                        out_hbm.at[pl.ds(base, _WB)])


def kernel(indices, codebooks):
    table = codebooks
    flat = indices
    idx_arr = (flat.reshape(_NW, _NBLK, _WB, _NUM_CODEBOOKS)
               .transpose(0, 1, 3, 2)
               .reshape(_NW * _NBLK, _GROUPS, _G))
    sid_off = (jnp.arange(_NS, dtype=jnp.int32) * _WB)[:, None, None]
    grp_off = ((jnp.arange(_ADD_GROUPS, dtype=jnp.int32) % _C0_GROUPS)
               * _G)[None, :, None]
    lane = jnp.arange(_G, dtype=jnp.int32)[None, None, :]
    pos = sid_off + grp_off + lane
    return _embed(table, idx_arr, pos)

# --- scband reference (transcript-rebuilt; emitter-appended) ---
"""Pipeline reference for scband-token-embedder-33457795235847 (READ-ONLY COPY).

The authoritative reference and input builder live on the scoring server;
editing this copy changes nothing except your own understanding.
"""

import jax, jax.numpy as jnp
import numpy as np

NUM_CODEBOOKS = 4
VOCAB_SIZE = 1000000
SUB_VOCAB = VOCAB_SIZE // NUM_CODEBOOKS  # 250000
HIDDEN = 64
BATCH = 16384


def setup_inputs(seed: int = 0) -> dict:
    key = jax.random.key(seed)
    k_idx, k_w = jax.random.split(key)
    indices = jax.random.randint(k_idx, (BATCH, NUM_CODEBOOKS), 0, SUB_VOCAB, dtype=jnp.int32)
    # stacked codebook weights: [num_codebooks, sub_vocab, hidden]
    codebooks = jax.random.normal(k_w, (NUM_CODEBOOKS, SUB_VOCAB, HIDDEN), dtype=jnp.float32) * 0.02
    return {"indices": indices, "codebooks": codebooks}


def reference(indices, codebooks):
    # Faithful translation: per-codebook embedding lookup, then stack + sum over codebooks
    latent_features = []
    for i in range(NUM_CODEBOOKS):
        latent_features.append(jnp.take(codebooks[i], indices[:, i], axis=0))
    out = jnp.stack(latent_features).sum(axis=0)
    return out

if __name__ == "__main__":
    import jax
    _d = setup_inputs()
    print(jax.jit(kernel)(*tuple(_d.values())))

</pallas_src>

<mosaic_0001>
#map = affine_map<(d0, d1) -> (0, 0, 0)>
#map1 = affine_map<(d0, d1) -> (0, 0)>
module attributes {stable_mosaic.version = 14 : i64} {
  func.func @_embed(%arg0: i32, %arg1: i32, %arg2: memref<4x250000x64xf32, #tpu.memory_space<hbm>>, %arg3: memref<64x8x128xi32, #tpu.memory_space<hbm>>, %arg4: memref<16x6x128xi32, #tpu.memory_space<hbm>>, %arg5: memref<16384x64xf32, #tpu.memory_space<hbm>>, %arg6: memref<8x128xi32, #tpu.memory_space<vmem>>, %arg7: memref<1024x64xf32, #tpu.memory_space<vmem>>, %arg8: memref<4096x64xf32, #tpu.memory_space<vmem_shared>>, %arg9: memref<128xi32, #tpu.memory_space<vmem>>, %arg10: memref<128xi32, #tpu.memory_space<vmem>>, %arg11: memref<128xi32, #tpu.memory_space<vmem>>, %arg12: memref<128xi32, #tpu.memory_space<vmem>>, %arg13: memref<128xi32, #tpu.memory_space<vmem>>, %arg14: memref<128xi32, #tpu.memory_space<vmem>>, %arg15: memref<!tpu.dma_semaphore, #tpu.memory_space<semaphore_mem>>) attributes {dimension_semantics = [#tpu.dimension_semantics<core_parallel>, #tpu.dimension_semantics<subcore_parallel>], iteration_bounds = array<i64: 2, 16>, scalar_prefetch = 0 : i64, scratch_operands = 10 : i64, tpu.core_type = #tpu.core_type<sc_vector_subcore>, window_params = [{transform_indices = #map}, {transform_indices = #map}, {transform_indices = #map}, {transform_indices = #map1}]} {
    %mul3A = arith.constant 2 : i32
    %mul3A_0 = arith.muli %arg1, %mul3A : i32
    %add3A = arith.addi %mul3A_0, %arg0 : i32
    %run_scoped3A = arith.constant 0 : i32
    "tpu.region"() ({
      %run_scoped3A_508 = tpu.sem_alloc : memref<!tpu.dma_semaphore, #tpu.memory_space<semaphore_mem>>
      %dma_start3A_509 = arith.constant 0 : i32
      %dma_start3A_510 = tpu.memref_slice %arg4[%arg1, %run_scoped3A, %dma_start3A_509] : memref<16x6x128xi32, #tpu.memory_space<hbm>> -> memref<1x1x128xi32, #tpu.memory_space<hbm>>
      %dma_start3A_511 = tpu.memref_squeeze %dma_start3A_510 : memref<1x1x128xi32, #tpu.memory_space<hbm>> -> memref<128xi32, #tpu.memory_space<hbm>>
      %dma_start3A_512 = arith.constant 0 : i32
      %dma_start3A_513 = tpu.memref_slice %arg4[%arg1, %run_scoped3A, %dma_start3A_512] : memref<16x6x128xi32, #tpu.memory_space<hbm>> -> memref<1x1x128xi32, #tpu.memory_space<hbm>>
      %dma_start3A_514 = tpu.memref_squeeze %dma_start3A_513 : memref<1x1x128xi32, #tpu.memory_space<hbm>> -> memref<128xi32, #tpu.memory_space<hbm>>
      tpu.enqueue_dma source(%dma_start3A_514 : memref<128xi32, #tpu.memory_space<hbm>>) target(%arg9 : memref<128xi32, #tpu.memory_space<vmem>>) target_semaphore(%run_scoped3A_508 : memref<!tpu.dma_semaphore, #tpu.memory_space<semaphore_mem>>)
      %dma_wait3A_515 = arith.constant 0 : i32
      %dma_wait3A_516 = tpu.memref_slice %arg4[%arg1, %run_scoped3A, %dma_wait3A_515] : memref<16x6x128xi32, #tpu.memory_space<hbm>> -> memref<1x1x128xi32, #tpu.memory_space<hbm>>
      %dma_wait3A_517 = tpu.memref_squeeze %dma_wait3A_516 : memref<1x1x128xi32, #tpu.memory_space<hbm>> -> memref<128xi32, #tpu.memory_space<hbm>>
      %dma_wait3A_518 = arith.constant 0 : i32
      %dma_wait3A_519 = tpu.memref_slice %arg4[%arg1, %run_scoped3A, %dma_wait3A_518] : memref<16x6x128xi32, #tpu.memory_space<hbm>> -> memref<1x1x128xi32, #tpu.memory_space<hbm>>
      %dma_wait3A_520 = tpu.memref_squeeze %dma_wait3A_519 : memref<1x1x128xi32, #tpu.memory_space<hbm>> -> memref<128xi32, #tpu.memory_space<hbm>>
      tpu.wait_dma2 semaphore(%run_scoped3A_508 : memref<!tpu.dma_semaphore, #tpu.memory_space<semaphore_mem>>) src(%dma_wait3A_520 : memref<128xi32, #tpu.memory_space<hbm>>) dst(%arg9 : memref<128xi32, #tpu.memory_space<vmem>>)
      tpu.yield
    }) : () -> ()
    %run_scoped3A_1 = arith.constant 1 : i32
    "tpu.region"() ({
      %run_scoped3A_508 = tpu.sem_alloc : memref<!tpu.dma_semaphore, #tpu.memory_space<semaphore_mem>>
      %dma_start3A_509 = arith.constant 0 : i32
      %dma_start3A_510 = tpu.memref_slice %arg4[%arg1, %run_scoped3A_1, %dma_start3A_509] : memref<16x6x128xi32, #tpu.memory_space<hbm>> -> memref<1x1x128xi32, #tpu.memory_space<hbm>>
      %dma_start3A_511 = tpu.memref_squeeze %dma_start3A_510 : memref<1x1x128xi32, #tpu.memory_space<hbm>> -> memref<128xi32, #tpu.memory_space<hbm>>
      %dma_start3A_512 = arith.constant 0 : i32
      %dma_start3A_513 = tpu.memref_slice %arg4[%arg1, %run_scoped3A_1, %dma_start3A_512] : memref<16x6x128xi32, #tpu.memory_space<hbm>> -> memref<1x1x128xi32, #tpu.memory_space<hbm>>
      %dma_start3A_514 = tpu.memref_squeeze %dma_start3A_513 : memref<1x1x128xi32, #tpu.memory_space<hbm>> -> memref<128xi32, #tpu.memory_space<hbm>>
      tpu.enqueue_dma source(%dma_start3A_514 : memref<128xi32, #tpu.memory_space<hbm>>) target(%arg10 : memref<128xi32, #tpu.memory_space<vmem>>) target_semaphore(%run_scoped3A_508 : memref<!tpu.dma_semaphore, #tpu.memory_space<semaphore_mem>>)
      %dma_wait3A_515 = arith.constant 0 : i32
      %dma_wait3A_516 = tpu.memref_slice %arg4[%arg1, %run_scoped3A_1, %dma_wait3A_515] : memref<16x6x128xi32, #tpu.memory_space<hbm>> -> memref<1x1x128xi32, #tpu.memory_space<hbm>>
      %dma_wait3A_517 = tpu.memref_squeeze %dma_wait3A_516 : memref<1x1x128xi32, #tpu.memory_space<hbm>> -> memref<128xi32, #tpu.memory_space<hbm>>
      %dma_wait3A_518 = arith.constant 0 : i32
      %dma_wait3A_519 = tpu.memref_slice %arg4[%arg1, %run_scoped3A_1, %dma_wait3A_518] : memref<16x6x128xi32, #tpu.memory_space<hbm>> -> memref<1x1x128xi32, #tpu.memory_space<hbm>>
      %dma_wait3A_520 = tpu.memref_squeeze %dma_wait3A_519 : memref<1x1x128xi32, #tpu.memory_space<hbm>> -> memref<128xi32, #tpu.memory_space<hbm>>
      tpu.wait_dma2 semaphore(%run_scoped3A_508 : memref<!tpu.dma_semaphore, #tpu.memory_space<semaphore_mem>>) src(%dma_wait3A_520 : memref<128xi32, #tpu.memory_space<hbm>>) dst(%arg10 : memref<128xi32, #tpu.memory_space<vmem>>)
      tpu.yield
    }) : () -> ()
    %run_scoped3A_2 = arith.constant 2 : i32
    "tpu.region"() ({
      %run_scoped3A_508 = tpu.sem_alloc : memref<!tpu.dma_semaphore, #tpu.memory_space<semaphore_mem>>
      %dma_start3A_509 = arith.constant 0 : i32
      %dma_start3A_510 = tpu.memref_slice %arg4[%arg1, %run_scoped3A_2, %dma_start3A_509] : memref<16x6x128xi32, #tpu.memory_space<hbm>> -> memref<1x1x128xi32, #tpu.memory_space<hbm>>
      %dma_start3A_511 = tpu.memref_squeeze %dma_start3A_510 : memref<1x1x128xi32, #tpu.memory_space<hbm>> -> memref<128xi32, #tpu.memory_space<hbm>>
      %dma_start3A_512 = arith.constant 0 : i32
      %dma_start3A_513 = tpu.memref_slice %arg4[%arg1, %run_scoped3A_2, %dma_start3A_512] : memref<16x6x128xi32, #tpu.memory_space<hbm>> -> memref<1x1x128xi32, #tpu.memory_space<hbm>>
      %dma_start3A_514 = tpu.memref_squeeze %dma_start3A_513 : memref<1x1x128xi32, #tpu.memory_space<hbm>> -> memref<128xi32, #tpu.memory_space<hbm>>
      tpu.enqueue_dma source(%dma_start3A_514 : memref<128xi32, #tpu.memory_space<hbm>>) target(%arg11 : memref<128xi32, #tpu.memory_space<vmem>>) target_semaphore(%run_scoped3A_508 : memref<!tpu.dma_semaphore, #tpu.memory_space<semaphore_mem>>)
      %dma_wait3A_515 = arith.constant 0 : i32
      %dma_wait3A_516 = tpu.memref_slice %arg4[%arg1, %run_scoped3A_2, %dma_wait3A_515] : memref<16x6x128xi32, #tpu.memory_space<hbm>> -> memref<1x1x128xi32, #tpu.memory_space<hbm>>
      %dma_wait3A_517 = tpu.memref_squeeze %dma_wait3A_516 : memref<1x1x128xi32, #tpu.memory_space<hbm>> -> memref<128xi32, #tpu.memory_space<hbm>>
      %dma_wait3A_518 = arith.constant 0 : i32
      %dma_wait3A_519 = tpu.memref_slice %arg4[%arg1, %run_scoped3A_2, %dma_wait3A_518] : memref<16x6x128xi32, #tpu.memory_space<hbm>> -> memref<1x1x128xi32, #tpu.memory_space<hbm>>
      %dma_wait3A_520 = tpu.memref_squeeze %dma_wait3A_519 : memref<1x1x128xi32, #tpu.memory_space<hbm>> -> memref<128xi32, #tpu.memory_space<hbm>>
      tpu.wait_dma2 semaphore(%run_scoped3A_508 : memref<!tpu.dma_semaphore, #tpu.memory_space<semaphore_mem>>) src(%dma_wait3A_520 : memref<128xi32, #tpu.memory_space<hbm>>) dst(%arg11 : memref<128xi32, #tpu.memory_space<vmem>>)
      tpu.yield
    }) : () -> ()
    %run_scoped3A_3 = arith.constant 3 : i32
    "tpu.region"() ({
      %run_scoped3A_508 = tpu.sem_alloc : memref<!tpu.dma_semaphore, #tpu.memory_space<semaphore_mem>>
      %dma_start3A_509 = arith.constant 0 : i32
      %dma_start3A_510 = tpu.memref_slice %arg4[%arg1, %run_scoped3A_3, %dma_start3A_509] : memref<16x6x128xi32, #tpu.memory_space<hbm>> -> memref<1x1x128xi32, #tpu.memory_space<hbm>>
      %dma_start3A_511 = tpu.memref_squeeze %dma_start3A_510 : memref<1x1x128xi32, #tpu.memory_space<hbm>> -> memref<128xi32, #tpu.memory_space<hbm>>
      %dma_start3A_512 = arith.constant 0 : i32
      %dma_start3A_513 = tpu.memref_slice %arg4[%arg1, %run_scoped3A_3, %dma_start3A_512] : memref<16x6x128xi32, #tpu.memory_space<hbm>> -> memref<1x1x128xi32, #tpu.memory_space<hbm>>
      %dma_start3A_514 = tpu.memref_squeeze %dma_start3A_513 : memref<1x1x128xi32, #tpu.memory_space<hbm>> -> memref<128xi32, #tpu.memory_space<hbm>>
      tpu.enqueue_dma source(%dma_start3A_514 : memref<128xi32, #tpu.memory_space<hbm>>) target(%arg12 : memref<128xi32, #tpu.memory_space<vmem>>) target_semaphore(%run_scoped3A_508 : memref<!tpu.dma_semaphore, #tpu.memory_space<semaphore_mem>>)
      %dma_wait3A_515 = arith.constant 0 : i32
      %dma_wait3A_516 = tpu.memref_slice %arg4[%arg1, %run_scoped3A_3, %dma_wait3A_515] : memref<16x6x128xi32, #tpu.memory_space<hbm>> -> memref<1x1x128xi32, #tpu.memory_space<hbm>>
      %dma_wait3A_517 = tpu.memref_squeeze %dma_wait3A_516 : memref<1x1x128xi32, #tpu.memory_space<hbm>> -> memref<128xi32, #tpu.memory_space<hbm>>
      %dma_wait3A_518 = arith.constant 0 : i32
      %dma_wait3A_519 = tpu.memref_slice %arg4[%arg1, %run_scoped3A_3, %dma_wait3A_518] : memref<16x6x128xi32, #tpu.memory_space<hbm>> -> memref<1x1x128xi32, #tpu.memory_space<hbm>>
      %dma_wait3A_520 = tpu.memref_squeeze %dma_wait3A_519 : memref<1x1x128xi32, #tpu.memory_space<hbm>> -> memref<128xi32, #tpu.memory_space<hbm>>
      tpu.wait_dma2 semaphore(%run_scoped3A_508 : memref<!tpu.dma_semaphore, #tpu.memory_space<semaphore_mem>>) src(%dma_wait3A_520 : memref<128xi32, #tpu.memory_space<hbm>>) dst(%arg12 : memref<128xi32, #tpu.memory_space<vmem>>)
      tpu.yield
    }) : () -> ()
    %run_scoped3A_4 = arith.constant 4 : i32
    "tpu.region"() ({
      %run_scoped3A_508 = tpu.sem_alloc : memref<!tpu.dma_semaphore, #tpu.memory_space<semaphore_mem>>
      %dma_start3A_509 = arith.constant 0 : i32
      %dma_start3A_510 = tpu.memref_slice %arg4[%arg1, %run_scoped3A_4, %dma_start3A_509] : memref<16x6x128xi32, #tpu.memory_space<hbm>> -> memref<1x1x128xi32, #tpu.memory_space<hbm>>
      %dma_start3A_511 = tpu.memref_squeeze %dma_start3A_510 : memref<1x1x128xi32, #tpu.memory_space<hbm>> -> memref<128xi32, #tpu.memory_space<hbm>>
      %dma_start3A_512 = arith.constant 0 : i32
      %dma_start3A_513 = tpu.memref_slice %arg4[%arg1, %run_scoped3A_4, %dma_start3A_512] : memref<16x6x128xi32, #tpu.memory_space<hbm>> -> memref<1x1x128xi32, #tpu.memory_space<hbm>>
      %dma_start3A_514 = tpu.memref_squeeze %dma_start3A_513 : memref<1x1x128xi32, #tpu.memory_space<hbm>> -> memref<128xi32, #tpu.memory_space<hbm>>
      tpu.enqueue_dma source(%dma_start3A_514 : memref<128xi32, #tpu.memory_space<hbm>>) target(%arg13 : memref<128xi32, #tpu.memory_space<vmem>>) target_semaphore(%run_scoped3A_508 : memref<!tpu.dma_semaphore, #tpu.memory_space<semaphore_mem>>)
      %dma_wait3A_515 = arith.constant 0 : i32
      %dma_wait3A_516 = tpu.memref_slice %arg4[%arg1, %run_scoped3A_4, %dma_wait3A_515] : memref<16x6x128xi32, #tpu.memory_space<hbm>> -> memref<1x1x128xi32, #tpu.memory_space<hbm>>
      %dma_wait3A_517 = tpu.memref_squeeze %dma_wait3A_516 : memref<1x1x128xi32, #tpu.memory_space<hbm>> -> memref<128xi32, #tpu.memory_space<hbm>>
      %dma_wait3A_518 = arith.constant 0 : i32
      %dma_wait3A_519 = tpu.memref_slice %arg4[%arg1, %run_scoped3A_4, %dma_wait3A_518] : memref<16x6x128xi32, #tpu.memory_space<hbm>> -> memref<1x1x128xi32, #tpu.memory_space<hbm>>
      %dma_wait3A_520 = tpu.memref_squeeze %dma_wait3A_519 : memref<1x1x128xi32, #tpu.memory_space<hbm>> -> memref<128xi32, #tpu.memory_space<hbm>>
      tpu.wait_dma2 semaphore(%run_scoped3A_508 : memref<!tpu.dma_semaphore, #tpu.memory_space<semaphore_mem>>) src(%dma_wait3A_520 : memref<128xi32, #tpu.memory_space<hbm>>) dst(%arg13 : memref<128xi32, #tpu.memory_space<vmem>>)
      tpu.yield
    }) : () -> ()
    %run_scoped3A_5 = arith.constant 5 : i32
    "tpu.region"() ({
      %run_scoped3A_508 = tpu.sem_alloc : memref<!tpu.dma_semaphore, #tpu.memory_space<semaphore_mem>>
      %dma_start3A_509 = arith.constant 0 : i32
      %dma_start3A_510 = tpu.memref_slice %arg4[%arg1, %run_scoped3A_5, %dma_start3A_509] : memref<16x6x128xi32, #tpu.memory_space<hbm>> -> memref<1x1x128xi32, #tpu.memory_space<hbm>>
      %dma_start3A_511 = tpu.memref_squeeze %dma_start3A_510 : memref<1x1x128xi32, #tpu.memory_space<hbm>> -> memref<128xi32, #tpu.memory_space<hbm>>
      %dma_start3A_512 = arith.constant 0 : i32
      %dma_start3A_513 = tpu.memref_slice %arg4[%arg1, %run_scoped3A_5, %dma_start3A_512] : memref<16x6x128xi32, #tpu.memory_space<hbm>> -> memref<1x1x128xi32, #tpu.memory_space<hbm>>
      %dma_start3A_514 = tpu.memref_squeeze %dma_start3A_513 : memref<1x1x128xi32, #tpu.memory_space<hbm>> -> memref<128xi32, #tpu.memory_space<hbm>>
      tpu.enqueue_dma source(%dma_start3A_514 : memref<128xi32, #tpu.memory_space<hbm>>) target(%arg14 : memref<128xi32, #tpu.memory_space<vmem>>) target_semaphore(%run_scoped3A_508 : memref<!tpu.dma_semaphore, #tpu.memory_space<semaphore_mem>>)
      %dma_wait3A_515 = arith.constant 0 : i32
      %dma_wait3A_516 = tpu.memref_slice %arg4[%arg1, %run_scoped3A_5, %dma_wait3A_515] : memref<16x6x128xi32, #tpu.memory_space<hbm>> -> memref<1x1x128xi32, #tpu.memory_space<hbm>>
      %dma_wait3A_517 = tpu.memref_squeeze %dma_wait3A_516 : memref<1x1x128xi32, #tpu.memory_space<hbm>> -> memref<128xi32, #tpu.memory_space<hbm>>
      %dma_wait3A_518 = arith.constant 0 : i32
      %dma_wait3A_519 = tpu.memref_slice %arg4[%arg1, %run_scoped3A_5, %dma_wait3A_518] : memref<16x6x128xi32, #tpu.memory_space<hbm>> -> memref<1x1x128xi32, #tpu.memory_space<hbm>>
      %dma_wait3A_520 = tpu.memref_squeeze %dma_wait3A_519 : memref<1x1x128xi32, #tpu.memory_space<hbm>> -> memref<128xi32, #tpu.memory_space<hbm>>
      tpu.wait_dma2 semaphore(%run_scoped3A_508 : memref<!tpu.dma_semaphore, #tpu.memory_space<semaphore_mem>>) src(%dma_wait3A_520 : memref<128xi32, #tpu.memory_space<hbm>>) dst(%arg14 : memref<128xi32, #tpu.memory_space<vmem>>)
      tpu.yield
    }) : () -> ()
    %mul3A_6 = arith.constant 2 : i32
    %mul3A_7 = arith.muli %add3A, %mul3A_6 : i32
    %add3A_8 = arith.constant 0 : i32
    %add3A_9 = arith.addi %mul3A_7, %add3A_8 : i32
    "tpu.region"() ({
      %run_scoped3A_508 = tpu.sem_alloc : memref<!tpu.dma_semaphore, #tpu.memory_space<semaphore_mem>>
      %dma_start3A_509 = arith.constant 0 : i32
      %dma_start3A_510 = arith.constant 0 : i32
      %dma_start3A_511 = tpu.memref_slice %arg3[%add3A_9, %dma_start3A_509, %dma_start3A_510] : memref<64x8x128xi32, #tpu.memory_space<hbm>> -> memref<1x8x128xi32, #tpu.memory_space<hbm>>
      %dma_start3A_512 = tpu.memref_squeeze %dma_start3A_511 : memref<1x8x128xi32, #tpu.memory_space<hbm>> -> memref<8x128xi32, #tpu.memory_space<hbm>>
      %dma_start3A_513 = arith.constant 0 : i32
      %dma_start3A_514 = arith.constant 0 : i32
      %dma_start3A_515 = tpu.memref_slice %arg3[%add3A_9, %dma_start3A_513, %dma_start3A_514] : memref<64x8x128xi32, #tpu.memory_space<hbm>> -> memref<1x8x128xi32, #tpu.memory_space<hbm>>
      %dma_start3A_516 = tpu.memref_squeeze %dma_start3A_515 : memref<1x8x128xi32, #tpu.memory_space<hbm>> -> memref<8x128xi32, #tpu.memory_space<hbm>>
      tpu.enqueue_dma source(%dma_start3A_516 : memref<8x128xi32, #tpu.memory_space<hbm>>) target(%arg6 : memref<8x128xi32, #tpu.memory_space<vmem>>) target_semaphore(%run_scoped3A_508 : memref<!tpu.dma_semaphore, #tpu.memory_space<semaphore_mem>>)
      %dma_wait3A_517 = arith.constant 0 : i32
      %dma_wait3A_518 = arith.constant 0 : i32
      %dma_wait3A_519 = tpu.memref_slice %arg3[%add3A_9, %dma_wait3A_517, %dma_wait3A_518] : memref<64x8x128xi32, #tpu.memory_space<hbm>> -> memref<1x8x128xi32, #tpu.memory_space<hbm>>
      %dma_wait3A_520 = tpu.memref_squeeze %dma_wait3A_519 : memref<1x8x128xi32, #tpu.memory_space<hbm>> -> memref<8x128xi32, #tpu.memory_space<hbm>>
      %dma_wait3A_521 = arith.constant 0 : i32
      %dma_wait3A_522 = arith.constant 0 : i32
      %dma_wait3A_523 = tpu.memref_slice %arg3[%add3A_9, %dma_wait3A_521, %dma_wait3A_522] : memref<64x8x128xi32, #tpu.memory_space<hbm>> -> memref<1x8x128xi32, #tpu.memory_space<hbm>>
      %dma_wait3A_524 = tpu.memref_squeeze %dma_wait3A_523 : memref<1x8x128xi32, #tpu.memory_space<hbm>> -> memref<8x128xi32, #tpu.memory_space<hbm>>
      tpu.wait_dma2 semaphore(%run_scoped3A_508 : memref<!tpu.dma_semaphore, #tpu.memory_space<semaphore_mem>>) src(%dma_wait3A_524 : memref<8x128xi32, #tpu.memory_space<hbm>>) dst(%arg6 : memref<8x128xi32, #tpu.memory_space<vmem>>)
      tpu.yield
    }) : () -> ()
    %dma_start3A = arith.constant 0 : i32
    %dma_start3A_10 = arith.constant 0 : i32
    %dma_start3A_11 = arith.constant 0 : i32
    %dma_start3A_12 = arith.constant 0 : i32
    %dma_start3A_13 = tpu.memref_slice %arg7[%dma_start3A_11, %dma_start3A_12] : memref<1024x64xf32, #tpu.memory_space<vmem>> -> memref<128x64xf32, #tpu.memory_space<vmem>>
    %dma_start3A_14 = arith.constant 0 : i32
    %dma_start3A_15 = tpu.memref_slice %arg6[%dma_start3A_10, %dma_start3A_14] : memref<8x128xi32, #tpu.memory_space<vmem>> -> memref<1x128xi32, #tpu.memory_space<vmem>>
    %dma_start3A_16 = tpu.memref_squeeze %dma_start3A_15 : memref<1x128xi32, #tpu.memory_space<vmem>> -> memref<128xi32, #tpu.memory_space<vmem>>
    %dma_start3A_17 = arith.constant 0 : i32
    %dma_start3A_18 = arith.constant 0 : i32
    %dma_start3A_19 = tpu.memref_slice %arg2[%dma_start3A, %dma_start3A_17, %dma_start3A_18] : memref<4x250000x64xf32, #tpu.memory_space<hbm>> -> memref<1x250000x64xf32, #tpu.memory_space<hbm>>
    %dma_start3A_20 = tpu.memref_squeeze %dma_start3A_19 : memref<1x250000x64xf32, #tpu.memory_space<hbm>> -> memref<250000x64xf32, #tpu.memory_space<hbm>>
    %dma_start3A_21 = arith.constant 0 : i32
    %dma_start3A_22 = arith.constant 0 : i32
    %dma_start3A_23 = tpu.memref_slice %dma_start3A_20[%dma_start3A_21, %dma_start3A_22] : memref<250000x64xf32, #tpu.memory_space<hbm>> -> memref<250000x64xf32, #tpu.memory_space<hbm>>
    tpu.enqueue_indirect_dma source(%dma_start3A_23 : memref<250000x64xf32, #tpu.memory_space<hbm>>) target(%dma_start3A_13 : memref<128x64xf32, #tpu.memory_space<vmem>>) offsets(%dma_start3A_16 : memref<128xi32, #tpu.memory_space<vmem>>) semaphore(%arg15 : memref<!tpu.dma_semaphore, #tpu.memory_space<semaphore_mem>>)
    %dma_start3A_24 = arith.constant 0 : i32
    %dma_start3A_25 = arith.constant 1 : i32
    %dma_start3A_26 = arith.constant 128 : i32
    %dma_start3A_27 = arith.constant 0 : i32
    %dma_start3A_28 = tpu.memref_slice %arg7[%dma_start3A_26, %dma_start3A_27] : memref<1024x64xf32, #tpu.memory_space<vmem>> -> memref<128x64xf32, #tpu.memory_space<vmem>>
    %dma_start3A_29 = arith.constant 0 : i32
    %dma_start3A_30 = tpu.memref_slice %arg6[%dma_start3A_25, %dma_start3A_29] : memref<8x128xi32, #tpu.memory_space<vmem>> -> memref<1x128xi32, #tpu.memory_space<vmem>>
    %dma_start3A_31 = tpu.memref_squeeze %dma_start3A_30 : memref<1x128xi32, #tpu.memory_space<vmem>> -> memref<128xi32, #tpu.memory_space<vmem>>
    %dma_start3A_32 = arith.constant 0 : i32
    %dma_start3A_33 = arith.constant 0 : i32
    %dma_start3A_34 = tpu.memref_slice %arg2[%dma_start3A_24, %dma_start3A_32, %dma_start3A_33] : memref<4x250000x64xf32, #tpu.memory_space<hbm>> -> memref<1x250000x64xf32, #tpu.memory_space<hbm>>
    %dma_start3A_35 = tpu.memref_squeeze %dma_start3A_34 : memref<1x250000x64xf32, #tpu.memory_space<hbm>> -> memref<250000x64xf32, #tpu.memory_space<hbm>>
    %dma_start3A_36 = arith.constant 0 : i32
    %dma_start3A_37 = arith.constant 0 : i32
    %dma_start3A_38 = tpu.memref_slice %dma_start3A_35[%dma_start3A_36, %dma_start3A_37] : memref<250000x64xf32, #tpu.memory_space<hbm>> -> memref<250000x64xf32, #tpu.memory_space<hbm>>
    tpu.enqueue_indirect_dma source(%dma_start3A_38 : memref<250000x64xf32, #tpu.memory_space<hbm>>) target(%dma_start3A_28 : memref<128x64xf32, #tpu.memory_space<vmem>>) offsets(%dma_start3A_31 : memref<128xi32, #tpu.memory_space<vmem>>) semaphore(%arg15 : memref<!tpu.dma_semaphore, #tpu.memory_space<semaphore_mem>>)
    %dma_start3A_39 = arith.constant 1 : i32
    %dma_start3A_40 = arith.constant 2 : i32
    %dma_start3A_41 = arith.constant 256 : i32
    %dma_start3A_42 = arith.constant 0 : i32
    %dma_start3A_43 = tpu.memref_slice %arg7[%dma_start3A_41, %dma_start3A_42] : memref<1024x64xf32, #tpu.memory_space<vmem>> -> memref<128x64xf32, #tpu.memory_space<vmem>>
    %dma_start3A_44 = arith.constant 0 : i32
    %dma_start3A_45 = tpu.memref_slice %arg6[%dma_start3A_40, %dma_start3A_44] : memref<8x128xi32, #tpu.memory_space<vmem>> -> memref<1x128xi32, #tpu.memory_space<vmem>>
    %dma_start3A_46 = tpu.memref_squeeze %dma_start3A_45 : memref<1x128xi32, #tpu.memory_space<vmem>> -> memref<128xi32, #tpu.memory_space<vmem>>
    %dma_start3A_47 = arith.constant 0 : i32
    %dma_start3A_48 = arith.constant 0 : i32
    %dma_start3A_49 = tpu.memref_slice %arg2[%dma_start3A_39, %dma_start3A_47, %dma_start3A_48] : memref<4x250000x64xf32, #tpu.memory_space<hbm>> -> memref<1x250000x64xf32, #tpu.memory_space<hbm>>
    %dma_start3A_50 = tpu.memref_squeeze %dma_start3A_49 : memref<1x250000x64xf32, #tpu.memory_space<hbm>> -> memref<250000x64xf32, #tpu.memory_space<hbm>>
    %dma_start3A_51 = arith.constant 0 : i32
    %dma_start3A_52 = arith.constant 0 : i32
    %dma_start3A_53 = tpu.memref_slice %dma_start3A_50[%dma_start3A_51, %dma_start3A_52] : memref<250000x64xf32, #tpu.memory_space<hbm>> -> memref<250000x64xf32, #tpu.memory_space<hbm>>
    tpu.enqueue_indirect_dma source(%dma_start3A_53 : memref<250000x64xf32, #tpu.memory_space<hbm>>) target(%dma_start3A_43 : memref<128x64xf32, #tpu.memory_space<vmem>>) offsets(%dma_start3A_46 : memref<128xi32, #tpu.memory_space<vmem>>) semaphore(%arg15 : memref<!tpu.dma_semaphore, #tpu.memory_space<semaphore_mem>>)
    %dma_start3A_54 = arith.constant 1 : i32
    %dma_start3A_55 = arith.constant 3 : i32
    %dma_start3A_56 = arith.constant 384 : i32
    %dma_start3A_57 = arith.constant 0 : i32
    %dma_start3A_58 = tpu.memref_slice %arg7[%dma_start3A_56, %dma_start3A_57] : memref<1024x64xf32, #tpu.memory_space<vmem>> -> memref<128x64xf32, #tpu.memory_space<vmem>>
    %dma_start3A_59 = arith.constant 0 : i32
    %dma_start3A_60 = tpu.memref_slice %arg6[%dma_start3A_55, %dma_start3A_59] : memref<8x128xi32, #tpu.memory_space<vmem>> -> memref<1x128xi32, #tpu.memory_space<vmem>>
    %dma_start3A_61 = tpu.memref_squeeze %dma_start3A_60 : memref<1x128xi32, #tpu.memory_space<vmem>> -> memref<128xi32, #tpu.memory_space<vmem>>
    %dma_start3A_62 = arith.constant 0 : i32
    %dma_start3A_63 = arith.constant 0 : i32
    %dma_start3A_64 = tpu.memref_slice %arg2[%dma_start3A_54, %dma_start3A_62, %dma_start3A_63] : memref<4x250000x64xf32, #tpu.memory_space<hbm>> -> memref<1x250000x64xf32, #tpu.memory_space<hbm>>
    %dma_start3A_65 = tpu.memref_squeeze %dma_start3A_64 : memref<1x250000x64xf32, #tpu.memory_space<hbm>> -> memref<250000x64xf32, #tpu.memory_space<hbm>>
    %dma_start3A_66 = arith.constant 0 : i32
    %dma_start3A_67 = arith.constant 0 : i32
    %dma_start3A_68 = tpu.memref_slice %dma_start3A_65[%dma_start3A_66, %dma_start3A_67] : memref<250000x64xf32, #tpu.memory_space<hbm>> -> memref<250000x64xf32, #tpu.memory_space<hbm>>
    tpu.enqueue_indirect_dma source(%dma_start3A_68 : memref<250000x64xf32, #tpu.memory_space<hbm>>) target(%dma_start3A_58 : memref<128x64xf32, #tpu.memory_space<vmem>>) offsets(%dma_start3A_61 : memref<128xi32, #tpu.memory_space<vmem>>) semaphore(%arg15 : memref<!tpu.dma_semaphore, #tpu.memory_space<semaphore_mem>>)
    %dma_start3A_69 = arith.constant 2 : i32
    %dma_start3A_70 = arith.constant 4 : i32
    %dma_start3A_71 = arith.constant 512 : i32
    %dma_start3A_72 = arith.constant 0 : i32
    %dma_start3A_73 = tpu.memref_slice %arg7[%dma_start3A_71, %dma_start3A_72] : memref<1024x64xf32, #tpu.memory_space<vmem>> -> memref<128x64xf32, #tpu.memory_space<vmem>>
    %dma_start3A_74 = arith.constant 0 : i32
    %dma_start3A_75 = tpu.memref_slice %arg6[%dma_start3A_70, %dma_start3A_74] : memref<8x128xi32, #tpu.memory_space<vmem>> -> memref<1x128xi32, #tpu.memory_space<vmem>>
    %dma_start3A_76 = tpu.memref_squeeze %dma_start3A_75 : memref<1x128xi32, #tpu.memory_space<vmem>> -> memref<128xi32, #tpu.memory_space<vmem>>
    %dma_start3A_77 = arith.constant 0 : i32
    %dma_start3A_78 = arith.constant 0 : i32
    %dma_start3A_79 = tpu.memref_slice %arg2[%dma_start3A_69, %dma_start3A_77, %dma_start3A_78] : memref<4x250000x64xf32, #tpu.memory_space<hbm>> -> memref<1x250000x64xf32, #tpu.memory_space<hbm>>
    %dma_start3A_80 = tpu.memref_squeeze %dma_start3A_79 : memref<1x250000x64xf32, #tpu.memory_space<hbm>> -> memref<250000x64xf32, #tpu.memory_space<hbm>>
    %dma_start3A_81 = arith.constant 0 : i32
    %dma_start3A_82 = arith.constant 0 : i32
    %dma_start3A_83 = tpu.memref_slice %dma_start3A_80[%dma_start3A_81, %dma_start3A_82] : memref<250000x64xf32, #tpu.memory_space<hbm>> -> memref<250000x64xf32, #tpu.memory_space<hbm>>
    tpu.enqueue_indirect_dma source(%dma_start3A_83 : memref<250000x64xf32, #tpu.memory_space<hbm>>) target(%dma_start3A_73 : memref<128x64xf32, #tpu.memory_space<vmem>>) offsets(%dma_start3A_76 : memref<128xi32, #tpu.memory_space<vmem>>) semaphore(%arg15 : memref<!tpu.dma_semaphore, #tpu.memory_space<semaphore_mem>>)
    %dma_start3A_84 = arith.constant 2 : i32
    %dma_start3A_85 = arith.constant 5 : i32
    %dma_start3A_86 = arith.constant 640 : i32
    %dma_start3A_87 = arith.constant 0 : i32
    %dma_start3A_88 = tpu.memref_slice %arg7[%dma_start3A_86, %dma_start3A_87] : memref<1024x64xf32, #tpu.memory_space<vmem>> -> memref<128x64xf32, #tpu.memory_space<vmem>>
    %dma_start3A_89 = arith.constant 0 : i32
    %dma_start3A_90 = tpu.memref_slice %arg6[%dma_start3A_85, %dma_start3A_89] : memref<8x128xi32, #tpu.memory_space<vmem>> -> memref<1x128xi32, #tpu.memory_space<vmem>>
    %dma_start3A_91 = tpu.memref_squeeze %dma_start3A_90 : memref<1x128xi32, #tpu.memory_space<vmem>> -> memref<128xi32, #tpu.memory_space<vmem>>
    %dma_start3A_92 = arith.constant 0 : i32
    %dma_start3A_93 = arith.constant 0 : i32
    %dma_start3A_94 = tpu.memref_slice %arg2[%dma_start3A_84, %dma_start3A_92, %dma_start3A_93] : memref<4x250000x64xf32, #tpu.memory_space<hbm>> -> memref<1x250000x64xf32, #tpu.memory_space<hbm>>
    %dma_start3A_95 = tpu.memref_squeeze %dma_start3A_94 : memref<1x250000x64xf32, #tpu.memory_space<hbm>> -> memref<250000x64xf32, #tpu.memory_space<hbm>>
    %dma_start3A_96 = arith.constant 0 : i32
    %dma_start3A_97 = arith.constant 0 : i32
    %dma_start3A_98 = tpu.memref_slice %dma_start3A_95[%dma_start3A_96, %dma_start3A_97] : memref<250000x64xf32, #tpu.memory_space<hbm>> -> memref<250000x64xf32, #tpu.memory_space<hbm>>
    tpu.enqueue_indirect_dma source(%dma_start3A_98 : memref<250000x64xf32, #tpu.memory_space<hbm>>) target(%dma_start3A_88 : memref<128x64xf32, #tpu.memory_space<vmem>>) offsets(%dma_start3A_91 : memref<128xi32, #tpu.memory_space<vmem>>) semaphore(%arg15 : memref<!tpu.dma_semaphore, #tpu.memory_space<semaphore_mem>>)
    %dma_start3A_99 = arith.constant 3 : i32
    %dma_start3A_100 = arith.constant 6 : i32
    %dma_start3A_101 = arith.constant 768 : i32
    %dma_start3A_102 = arith.constant 0 : i32
    %dma_start3A_103 = tpu.memref_slice %arg7[%dma_start3A_101, %dma_start3A_102] : memref<1024x64xf32, #tpu.memory_space<vmem>> -> memref<128x64xf32, #tpu.memory_space<vmem>>
    %dma_start3A_104 = arith.constant 0 : i32
    %dma_start3A_105 = tpu.memref_slice %arg6[%dma_start3A_100, %dma_start3A_104] : memref<8x128xi32, #tpu.memory_space<vmem>> -> memref<1x128xi32, #tpu.memory_space<vmem>>
    %dma_start3A_106 = tpu.memref_squeeze %dma_start3A_105 : memref<1x128xi32, #tpu.memory_space<vmem>> -> memref<128xi32, #tpu.memory_space<vmem>>
    %dma_start3A_107 = arith.constant 0 : i32
    %dma_start3A_108 = arith.constant 0 : i32
    %dma_start3A_109 = tpu.memref_slice %arg2[%dma_start3A_99, %dma_start3A_107, %dma_start3A_108] : memref<4x250000x64xf32, #tpu.memory_space<hbm>> -> memref<1x250000x64xf32, #tpu.memory_space<hbm>>
    %dma_start3A_110 = tpu.memref_squeeze %dma_start3A_109 : memref<1x250000x64xf32, #tpu.memory_space<hbm>> -> memref<250000x64xf32, #tpu.memory_space<hbm>>
    %dma_start3A_111 = arith.constant 0 : i32
    %dma_start3A_112 = arith.constant 0 : i32
    %dma_start3A_113 = tpu.memref_slice %dma_start3A_110[%dma_start3A_111, %dma_start3A_112] : memref<250000x64xf32, #tpu.memory_space<hbm>> -> memref<250000x64xf32, #tpu.memory_space<hbm>>
    tpu.enqueue_indirect_dma source(%dma_start3A_113 : memref<250000x64xf32, #tpu.memory_space<hbm>>) target(%dma_start3A_103 : memref<128x64xf32, #tpu.memory_space<vmem>>) offsets(%dma_start3A_106 : memref<128xi32, #tpu.memory_space<vmem>>) semaphore(%arg15 : memref<!tpu.dma_semaphore, #tpu.memory_space<semaphore_mem>>)
    %dma_start3A_114 = arith.constant 3 : i32
    %dma_start3A_115 = arith.constant 7 : i32
    %dma_start3A_116 = arith.constant 896 : i32
    %dma_start3A_117 = arith.constant 0 : i32
    %dma_start3A_118 = tpu.memref_slice %arg7[%dma_start3A_116, %dma_start3A_117] : memref<1024x64xf32, #tpu.memory_space<vmem>> -> memref<128x64xf32, #tpu.memory_space<vmem>>
    %dma_start3A_119 = arith.constant 0 : i32
    %dma_start3A_120 = tpu.memref_slice %arg6[%dma_start3A_115, %dma_start3A_119] : memref<8x128xi32, #tpu.memory_space<vmem>> -> memref<1x128xi32, #tpu.memory_space<vmem>>
    %dma_start3A_121 = tpu.memref_squeeze %dma_start3A_120 : memref<1x128xi32, #tpu.memory_space<vmem>> -> memref<128xi32, #tpu.memory_space<vmem>>
    %dma_start3A_122 = arith.constant 0 : i32
    %dma_start3A_123 = arith.constant 0 : i32
    %dma_start3A_124 = tpu.memref_slice %arg2[%dma_start3A_114, %dma_start3A_122, %dma_start3A_123] : memref<4x250000x64xf32, #tpu.memory_space<hbm>> -> memref<1x250000x64xf32, #tpu.memory_space<hbm>>
    %dma_start3A_125 = tpu.memref_squeeze %dma_start3A_124 : memref<1x250000x64xf32, #tpu.memory_space<hbm>> -> memref<250000x64xf32, #tpu.memory_space<hbm>>
    %dma_start3A_126 = arith.constant 0 : i32
    %dma_start3A_127 = arith.constant 0 : i32
    %dma_start3A_128 = tpu.memref_slice %dma_start3A_125[%dma_start3A_126, %dma_start3A_127] : memref<250000x64xf32, #tpu.memory_space<hbm>> -> memref<250000x64xf32, #tpu.memory_space<hbm>>
    tpu.enqueue_indirect_dma source(%dma_start3A_128 : memref<250000x64xf32, #tpu.memory_space<hbm>>) target(%dma_start3A_118 : memref<128x64xf32, #tpu.memory_space<vmem>>) offsets(%dma_start3A_121 : memref<128xi32, #tpu.memory_space<vmem>>) semaphore(%arg15 : memref<!tpu.dma_semaphore, #tpu.memory_space<semaphore_mem>>)
    %dma_wait3A = arith.constant 0 : i32
    %dma_wait3A_129 = arith.constant 0 : i32
    %dma_wait3A_130 = arith.constant 0 : i32
    %dma_wait3A_131 = arith.constant 0 : i32
    %dma_wait3A_132 = tpu.memref_slice %arg7[%dma_wait3A_130, %dma_wait3A_131] : memref<1024x64xf32, #tpu.memory_space<vmem>> -> memref<128x64xf32, #tpu.memory_space<vmem>>
    %dma_wait3A_133 = arith.constant 0 : i32
    %dma_wait3A_134 = tpu.memref_slice %arg6[%dma_wait3A_129, %dma_wait3A_133] : memref<8x128xi32, #tpu.memory_space<vmem>> -> memref<1x128xi32, #tpu.memory_space<vmem>>
    %dma_wait3A_135 = tpu.memref_squeeze %dma_wait3A_134 : memref<1x128xi32, #tpu.memory_space<vmem>> -> memref<128xi32, #tpu.memory_space<vmem>>
    %dma_wait3A_136 = arith.constant 0 : i32
    %dma_wait3A_137 = arith.constant 0 : i32
    %dma_wait3A_138 = tpu.memref_slice %arg2[%dma_wait3A, %dma_wait3A_136, %dma_wait3A_137] : memref<4x250000x64xf32, #tpu.memory_space<hbm>> -> memref<1x250000x64xf32, #tpu.memory_space<hbm>>
    %dma_wait3A_139 = tpu.memref_squeeze %dma_wait3A_138 : memref<1x250000x64xf32, #tpu.memory_space<hbm>> -> memref<250000x64xf32, #tpu.memory_space<hbm>>
    %dma_wait3A_140 = arith.constant 0 : i32
    %dma_wait3A_141 = arith.constant 0 : i32
    %dma_wait3A_142 = tpu.memref_slice %dma_wait3A_139[%dma_wait3A_140, %dma_wait3A_141] : memref<250000x64xf32, #tpu.memory_space<hbm>> -> memref<250000x64xf32, #tpu.memory_space<hbm>>
    tpu.wait_indirect_dma semaphore(%arg15 : memref<!tpu.dma_semaphore, #tpu.memory_space<semaphore_mem>>) src(%dma_wait3A_142 : memref<250000x64xf32, #tpu.memory_space<hbm>>) dst(%dma_wait3A_132 : memref<128x64xf32, #tpu.memory_space<vmem>>)
    %dma_wait3A_143 = arith.constant 0 : i32
    %dma_wait3A_144 = arith.constant 1 : i32
    %dma_wait3A_145 = arith.constant 128 : i32
    %dma_wait3A_146 = arith.constant 0 : i32
    %dma_wait3A_147 = tpu.memref_slice %arg7[%dma_wait3A_145, %dma_wait3A_146] : memref<1024x64xf32, #tpu.memory_space<vmem>> -> memref<128x64xf32, #tpu.memory_space<vmem>>
    %dma_wait3A_148 = arith.constant 0 : i32
    %dma_wait3A_149 = tpu.memref_slice %arg6[%dma_wait3A_144, %dma_wait3A_148] : memref<8x128xi32, #tpu.memory_space<vmem>> -> memref<1x128xi32, #tpu.memory_space<vmem>>
    %dma_wait3A_150 = tpu.memref_squeeze %dma_wait3A_149 : memref<1x128xi32, #tpu.memory_space<vmem>> -> memref<128xi32, #tpu.memory_space<vmem>>
    %dma_wait3A_151 = arith.constant 0 : i32
    %dma_wait3A_152 = arith.constant 0 : i32
    %dma_wait3A_153 = tpu.memref_slice %arg2[%dma_wait3A_143, %dma_wait3A_151, %dma_wait3A_152] : memref<4x250000x64xf32, #tpu.memory_space<hbm>> -> memref<1x250000x64xf32, #tpu.memory_space<hbm>>
    %dma_wait3A_154 = tpu.memref_squeeze %dma_wait3A_153 : memref<1x250000x64xf32, #tpu.memory_space<hbm>> -> memref<250000x64xf32, #tpu.memory_space<hbm>>
    %dma_wait3A_155 = arith.constant 0 : i32
    %dma_wait3A_156 = arith.constant 0 : i32
    %dma_wait3A_157 = tpu.memref_slice %dma_wait3A_154[%dma_wait3A_155, %dma_wait3A_156] : memref<250000x64xf32, #tpu.memory_space<hbm>> -> memref<250000x64xf32, #tpu.memory_space<hbm>>
    tpu.wait_indirect_dma semaphore(%arg15 : memref<!tpu.dma_semaphore, #tpu.memory_space<semaphore_mem>>) src(%dma_wait3A_157 : memref<250000x64xf32, #tpu.memory_space<hbm>>) dst(%dma_wait3A_147 : memref<128x64xf32, #tpu.memory_space<vmem>>)
    %dma_wait3A_158 = arith.constant 1 : i32
    %dma_wait3A_159 = arith.constant 2 : i32
    %dma_wait3A_160 = arith.constant 256 : i32
    %dma_wait3A_161 = arith.constant 0 : i32
    %dma_wait3A_162 = tpu.memref_slice %arg7[%dma_wait3A_160, %dma_wait3A_161] : memref<1024x64xf32, #tpu.memory_space<vmem>> -> memref<128x64xf32, #tpu.memory_space<vmem>>
    %dma_wait3A_163 = arith.constant 0 : i32
    %dma_wait3A_164 = tpu.memref_slice %arg6[%dma_wait3A_159, %dma_wait3A_163] : memref<8x128xi32, #tpu.memory_space<vmem>> -> memref<1x128xi32, #tpu.memory_space<vmem>>
    %dma_wait3A_165 = tpu.memref_squeeze %dma_wait3A_164 : memref<1x128xi32, #tpu.memory_space<vmem>> -> memref<128xi32, #tpu.memory_space<vmem>>
    %dma_wait3A_166 = arith.constant 0 : i32
    %dma_wait3A_167 = arith.constant 0 : i32
    %dma_wait3A_168 = tpu.memref_slice %arg2[%dma_wait3A_158, %dma_wait3A_166, %dma_wait3A_167] : memref<4x250000x64xf32, #tpu.memory_space<hbm>> -> memref<1x250000x64xf32, #tpu.memory_space<hbm>>
    %dma_wait3A_169 = tpu.memref_squeeze %dma_wait3A_168 : memref<1x250000x64xf32, #tpu.memory_space<hbm>> -> memref<250000x64xf32, #tpu.memory_space<hbm>>
    %dma_wait3A_170 = arith.constant 0 : i32
    %dma_wait3A_171 = arith.constant 0 : i32
    %dma_wait3A_172 = tpu.memref_slice %dma_wait3A_169[%dma_wait3A_170, %dma_wait3A_171] : memref<250000x64xf32, #tpu.memory_space<hbm>> -> memref<250000x64xf32, #tpu.memory_space<hbm>>
    tpu.wait_indirect_dma semaphore(%arg15 : memref<!tpu.dma_semaphore, #tpu.memory_space<semaphore_mem>>) src(%dma_wait3A_172 : memref<250000x64xf32, #tpu.memory_space<hbm>>) dst(%dma_wait3A_162 : memref<128x64xf32, #tpu.memory_space<vmem>>)
    %dma_wait3A_173 = arith.constant 1 : i32
    %dma_wait3A_174 = arith.constant 3 : i32
    %dma_wait3A_175 = arith.constant 384 : i32
    %dma_wait3A_176 = arith.constant 0 : i32
    %dma_wait3A_177 = tpu.memref_slice %arg7[%dma_wait3A_175, %dma_wait3A_176] : memref<1024x64xf32, #tpu.memory_space<vmem>> -> memref<128x64xf32, #tpu.memory_space<vmem>>
    %dma_wait3A_178 = arith.constant 0 : i32
    %dma_wait3A_179 = tpu.memref_slice %arg6[%dma_wait3A_174, %dma_wait3A_178] : memref<8x128xi32, #tpu.memory_space<vmem>> -> memref<1x128xi32, #tpu.memory_space<vmem>>
    %dma_wait3A_180 = tpu.memref_squeeze %dma_wait3A_179 : memref<1x128xi32, #tpu.memory_space<vmem>> -> memref<128xi32, #tpu.memory_space<vmem>>
    %dma_wait3A_181 = arith.constant 0 : i32
    %dma_wait3A_182 = arith.constant 0 : i32
    %dma_wait3A_183 = tpu.memref_slice %arg2[%dma_wait3A_173, %dma_wait3A_181, %dma_wait3A_182] : memref<4x250000x64xf32, #tpu.memory_space<hbm>> -> memref<1x250000x64xf32, #tpu.memory_space<hbm>>
    %dma_wait3A_184 = tpu.memref_squeeze %dma_wait3A_183 : memref<1x250000x64xf32, #tpu.memory_space<hbm>> -> memref<250000x64xf32, #tpu.memory_space<hbm>>
    %dma_wait3A_185 = arith.constant 0 : i32
    %dma_wait3A_186 = arith.constant 0 : i32
    %dma_wait3A_187 = tpu.memref_slice %dma_wait3A_184[%dma_wait3A_185, %dma_wait3A_186] : memref<250000x64xf32, #tpu.memory_space<hbm>> -> memref<250000x64xf32, #tpu.memory_space<hbm>>
    tpu.wait_indirect_dma semaphore(%arg15 : memref<!tpu.dma_semaphore, #tpu.memory_space<semaphore_mem>>) src(%dma_wait3A_187 : memref<250000x64xf32, #tpu.memory_space<hbm>>) dst(%dma_wait3A_177 : memref<128x64xf32, #tpu.memory_space<vmem>>)
    %dma_wait3A_188 = arith.constant 2 : i32
    %dma_wait3A_189 = arith.constant 4 : i32
    %dma_wait3A_190 = arith.constant 512 : i32
    %dma_wait3A_191 = arith.constant 0 : i32
    %dma_wait3A_192 = tpu.memref_slice %arg7[%dma_wait3A_190, %dma_wait3A_191] : memref<1024x64xf32, #tpu.memory_space<vmem>> -> memref<128x64xf32, #tpu.memory_space<vmem>>
    %dma_wait3A_193 = arith.constant 0 : i32
    %dma_wait3A_194 = tpu.memref_slice %arg6[%dma_wait3A_189, %dma_wait3A_193] : memref<8x128xi32, #tpu.memory_space<vmem>> -> memref<1x128xi32, #tpu.memory_space<vmem>>
    %dma_wait3A_195 = tpu.memref_squeeze %dma_wait3A_194 : memref<1x128xi32, #tpu.memory_space<vmem>> -> memref<128xi32, #tpu.memory_space<vmem>>
    %dma_wait3A_196 = arith.constant 0 : i32
    %dma_wait3A_197 = arith.constant 0 : i32
    %dma_wait3A_198 = tpu.memref_slice %arg2[%dma_wait3A_188, %dma_wait3A_196, %dma_wait3A_197] : memref<4x250000x64xf32, #tpu.memory_space<hbm>> -> memref<1x250000x64xf32, #tpu.memory_space<hbm>>
    %dma_wait3A_199 = tpu.memref_squeeze %dma_wait3A_198 : memref<1x250000x64xf32, #tpu.memory_space<hbm>> -> memref<250000x64xf32, #tpu.memory_space<hbm>>
    %dma_wait3A_200 = arith.constant 0 : i32
    %dma_wait3A_201 = arith.constant 0 : i32
    %dma_wait3A_202 = tpu.memref_slice %dma_wait3A_199[%dma_wait3A_200, %dma_wait3A_201] : memref<250000x64xf32, #tpu.memory_space<hbm>> -> memref<250000x64xf32, #tpu.memory_space<hbm>>
    tpu.wait_indirect_dma semaphore(%arg15 : memref<!tpu.dma_semaphore, #tpu.memory_space<semaphore_mem>>) src(%dma_wait3A_202 : memref<250000x64xf32, #tpu.memory_space<hbm>>) dst(%dma_wait3A_192 : memref<128x64xf32, #tpu.memory_space<vmem>>)
    %dma_wait3A_203 = arith.constant 2 : i32
    %dma_wait3A_204 = arith.constant 5 : i32
    %dma_wait3A_205 = arith.constant 640 : i32
    %dma_wait3A_206 = arith.constant 0 : i32
    %dma_wait3A_207 = tpu.memref_slice %arg7[%dma_wait3A_205, %dma_wait3A_206] : memref<1024x64xf32, #tpu.memory_space<vmem>> -> memref<128x64xf32, #tpu.memory_space<vmem>>
    %dma_wait3A_208 = arith.constant 0 : i32
    %dma_wait3A_209 = tpu.memref_slice %arg6[%dma_wait3A_204, %dma_wait3A_208] : memref<8x128xi32, #tpu.memory_space<vmem>> -> memref<1x128xi32, #tpu.memory_space<vmem>>
    %dma_wait3A_210 = tpu.memref_squeeze %dma_wait3A_209 : memref<1x128xi32, #tpu.memory_space<vmem>> -> memref<128xi32, #tpu.memory_space<vmem>>
    %dma_wait3A_211 = arith.constant 0 : i32
    %dma_wait3A_212 = arith.constant 0 : i32
    %dma_wait3A_213 = tpu.memref_slice %arg2[%dma_wait3A_203, %dma_wait3A_211, %dma_wait3A_212] : memref<4x250000x64xf32, #tpu.memory_space<hbm>> -> memref<1x250000x64xf32, #tpu.memory_space<hbm>>
    %dma_wait3A_214 = tpu.memref_squeeze %dma_wait3A_213 : memref<1x250000x64xf32, #tpu.memory_space<hbm>> -> memref<250000x64xf32, #tpu.memory_space<hbm>>
    %dma_wait3A_215 = arith.constant 0 : i32
    %dma_wait3A_216 = arith.constant 0 : i32
    %dma_wait3A_217 = tpu.memref_slice %dma_wait3A_214[%dma_wait3A_215, %dma_wait3A_216] : memref<250000x64xf32, #tpu.memory_space<hbm>> -> memref<250000x64xf32, #tpu.memory_space<hbm>>
    tpu.wait_indirect_dma semaphore(%arg15 : memref<!tpu.dma_semaphore, #tpu.memory_space<semaphore_mem>>) src(%dma_wait3A_217 : memref<250000x64xf32, #tpu.memory_space<hbm>>) dst(%dma_wait3A_207 : memref<128x64xf32, #tpu.memory_space<vmem>>)
    %dma_wait3A_218 = arith.constant 3 : i32
    %dma_wait3A_219 = arith.constant 6 : i32
    %dma_wait3A_220 = arith.constant 768 : i32
    %dma_wait3A_221 = arith.constant 0 : i32
    %dma_wait3A_222 = tpu.memref_slice %arg7[%dma_wait3A_220, %dma_wait3A_221] : memref<1024x64xf32, #tpu.memory_space<vmem>> -> memref<128x64xf32, #tpu.memory_space<vmem>>
    %dma_wait3A_223 = arith.constant 0 : i32
    %dma_wait3A_224 = tpu.memref_slice %arg6[%dma_wait3A_219, %dma_wait3A_223] : memref<8x128xi32, #tpu.memory_space<vmem>> -> memref<1x128xi32, #tpu.memory_space<vmem>>
    %dma_wait3A_225 = tpu.memref_squeeze %dma_wait3A_224 : memref<1x128xi32, #tpu.memory_space<vmem>> -> memref<128xi32, #tpu.memory_space<vmem>>
    %dma_wait3A_226 = arith.constant 0 : i32
    %dma_wait3A_227 = arith.constant 0 : i32
    %dma_wait3A_228 = tpu.memref_slice %arg2[%dma_wait3A_218, %dma_wait3A_226, %dma_wait3A_227] : memref<4x250000x64xf32, #tpu.memory_space<hbm>> -> memref<1x250000x64xf32, #tpu.memory_space<hbm>>
    %dma_wait3A_229 = tpu.memref_squeeze %dma_wait3A_228 : memref<1x250000x64xf32, #tpu.memory_space<hbm>> -> memref<250000x64xf32, #tpu.memory_space<hbm>>
    %dma_wait3A_230 = arith.constant 0 : i32
    %dma_wait3A_231 = arith.constant 0 : i32
    %dma_wait3A_232 = tpu.memref_slice %dma_wait3A_229[%dma_wait3A_230, %dma_wait3A_231] : memref<250000x64xf32, #tpu.memory_space<hbm>> -> memref<250000x64xf32, #tpu.memory_space<hbm>>
    tpu.wait_indirect_dma semaphore(%arg15 : memref<!tpu.dma_semaphore, #tpu.memory_space<semaphore_mem>>) src(%dma_wait3A_232 : memref<250000x64xf32, #tpu.memory_space<hbm>>) dst(%dma_wait3A_222 : memref<128x64xf32, #tpu.memory_space<vmem>>)
    %dma_wait3A_233 = arith.constant 3 : i32
    %dma_wait3A_234 = arith.constant 7 : i32
    %dma_wait3A_235 = arith.constant 896 : i32
    %dma_wait3A_236 = arith.constant 0 : i32
    %dma_wait3A_237 = tpu.memref_slice %arg7[%dma_wait3A_235, %dma_wait3A_236] : memref<1024x64xf32, #tpu.memory_space<vmem>> -> memref<128x64xf32, #tpu.memory_space<vmem>>
    %dma_wait3A_238 = arith.constant 0 : i32
    %dma_wait3A_239 = tpu.memref_slice %arg6[%dma_wait3A_234, %dma_wait3A_238] : memref<8x128xi32, #tpu.memory_space<vmem>> -> memref<1x128xi32, #tpu.memory_space<vmem>>
    %dma_wait3A_240 = tpu.memref_squeeze %dma_wait3A_239 : memref<1x128xi32, #tpu.memory_space<vmem>> -> memref<128xi32, #tpu.memory_space<vmem>>
    %dma_wait3A_241 = arith.constant 0 : i32
    %dma_wait3A_242 = arith.constant 0 : i32
    %dma_wait3A_243 = tpu.memref_slice %arg2[%dma_wait3A_233, %dma_wait3A_241, %dma_wait3A_242] : memref<4x250000x64xf32, #tpu.memory_space<hbm>> -> memref<1x250000x64xf32, #tpu.memory_space<hbm>>
    %dma_wait3A_244 = tpu.memref_squeeze %dma_wait3A_243 : memref<1x250000x64xf32, #tpu.memory_space<hbm>> -> memref<250000x64xf32, #tpu.memory_space<hbm>>
    %dma_wait3A_245 = arith.constant 0 : i32
    %dma_wait3A_246 = arith.constant 0 : i32
    %dma_wait3A_247 = tpu.memref_slice %dma_wait3A_244[%dma_wait3A_245, %dma_wait3A_246] : memref<250000x64xf32, #tpu.memory_space<hbm>> -> memref<250000x64xf32, #tpu.memory_space<hbm>>
    tpu.wait_indirect_dma semaphore(%arg15 : memref<!tpu.dma_semaphore, #tpu.memory_space<semaphore_mem>>) src(%dma_wait3A_247 : memref<250000x64xf32, #tpu.memory_space<hbm>>) dst(%dma_wait3A_237 : memref<128x64xf32, #tpu.memory_space<vmem>>)
    %mul3A_248 = arith.constant 256 : i32
    %mul3A_249 = arith.muli %arg1, %mul3A_248 : i32
    "tpu.region"() ({
      %run_scoped3A_508 = tpu.sem_alloc : memref<!tpu.dma_semaphore, #tpu.memory_space<semaphore_mem>>
      %dma_start3A_509 = arith.constant 0 : i32
      %dma_start3A_510 = arith.constant 0 : i32
      %dma_start3A_511 = tpu.memref_slice %arg7[%dma_start3A_509, %dma_start3A_510] : memref<1024x64xf32, #tpu.memory_space<vmem>> -> memref<256x64xf32, #tpu.memory_space<vmem>>
      %dma_start3A_512 = arith.constant 0 : i32
      %dma_start3A_513 = tpu.memref_slice %arg8[%mul3A_249, %dma_start3A_512] : memref<4096x64xf32, #tpu.memory_space<vmem_shared>> -> memref<256x64xf32, #tpu.memory_space<vmem_shared>>
      %dma_start3A_514 = arith.constant 0 : i32
      %dma_start3A_515 = tpu.memref_slice %arg8[%mul3A_249, %dma_start3A_514] : memref<4096x64xf32, #tpu.memory_space<vmem_shared>> -> memref<256x64xf32, #tpu.memory_space<vmem_shared>>
      %dma_start3A_516 = arith.constant 0 : i32
      %dma_start3A_517 = arith.constant 0 : i32
      %dma_start3A_518 = tpu.memref_slice %arg7[%dma_start3A_516, %dma_start3A_517] : memref<1024x64xf32, #tpu.memory_space<vmem>> -> memref<256x64xf32, #tpu.memory_space<vmem>>
      tpu.enqueue_dma source(%dma_start3A_518 : memref<256x64xf32, #tpu.memory_space<vmem>>) target(%dma_start3A_515 : memref<256x64xf32, #tpu.memory_space<vmem_shared>>) target_semaphore(%run_scoped3A_508 : memref<!tpu.dma_semaphore, #tpu.memory_space<semaphore_mem>>)
      %dma_wait3A_519 = arith.constant 0 : i32
      %dma_wait3A_520 = arith.constant 0 : i32
      %dma_wait3A_521 = tpu.memref_slice %arg7[%dma_wait3A_519, %dma_wait3A_520] : memref<1024x64xf32, #tpu.memory_space<vmem>> -> memref<256x64xf32, #tpu.memory_space<vmem>>
      %dma_wait3A_522 = arith.constant 0 : i32
      %dma_wait3A_523 = tpu.memref_slice %arg8[%mul3A_249, %dma_wait3A_522] : memref<4096x64xf32, #tpu.memory_space<vmem_shared>> -> memref<256x64xf32, #tpu.memory_space<vmem_shared>>
      %dma_wait3A_524 = arith.constant 0 : i32
      %dma_wait3A_525 = tpu.memref_slice %arg8[%mul3A_249, %dma_wait3A_524] : memref<4096x64xf32, #tpu.memory_space<vmem_shared>> -> memref<256x64xf32, #tpu.memory_space<vmem_shared>>
      %dma_wait3A_526 = arith.constant 0 : i32
      %dma_wait3A_527 = arith.constant 0 : i32
      %dma_wait3A_528 = tpu.memref_slice %arg7[%dma_wait3A_526, %dma_wait3A_527] : memref<1024x64xf32, #tpu.memory_space<vmem>> -> memref<256x64xf32, #tpu.memory_space<vmem>>
      tpu.wait_dma2 semaphore(%run_scoped3A_508 : memref<!tpu.dma_semaphore, #tpu.memory_space<semaphore_mem>>) src(%dma_wait3A_528 : memref<256x64xf32, #tpu.memory_space<vmem>>) dst(%dma_wait3A_525 : memref<256x64xf32, #tpu.memory_space<vmem_shared>>)
      tpu.yield
    }) : () -> ()
    "tpu.region"() ({
      %run_scoped3A_508 = tpu.sem_alloc : memref<!tpu.dma_semaphore, #tpu.memory_space<semaphore_mem>>
      %dma_start3A_509 = arith.constant 256 : i32
      %dma_start3A_510 = arith.constant 0 : i32
      %dma_start3A_511 = tpu.memref_slice %arg7[%dma_start3A_509, %dma_start3A_510] : memref<1024x64xf32, #tpu.memory_space<vmem>> -> memref<128x64xf32, #tpu.memory_space<vmem>>
      %dma_start3A_512 = arith.constant 0 : i32
      %dma_start3A_513 = arith.constant 0 : i32
      %dma_start3A_514 = tpu.memref_slice %arg8[%dma_start3A_512, %dma_start3A_513] : memref<4096x64xf32, #tpu.memory_space<vmem_shared>> -> memref<4096x64xf32, #tpu.memory_space<vmem_shared>>
      tpu.enqueue_indirect_dma source(%dma_start3A_511 : memref<128x64xf32, #tpu.memory_space<vmem>>) target(%dma_start3A_514 : memref<4096x64xf32, #tpu.memory_space<vmem_shared>>) offsets(%arg9 : memref<128xi32, #tpu.memory_space<vmem>>) semaphore(%run_scoped3A_508 : memref<!tpu.dma_semaphore, #tpu.memory_space<semaphore_mem>>) {add = true}
      %dma_wait3A_515 = arith.constant 256 : i32
      %dma_wait3A_516 = arith.constant 0 : i32
      %dma_wait3A_517 = tpu.memref_slice %arg7[%dma_wait3A_515, %dma_wait3A_516] : memref<1024x64xf32, #tpu.memory_space<vmem>> -> memref<128x64xf32, #tpu.memory_space<vmem>>
      %dma_wait3A_518 = arith.constant 0 : i32
      %dma_wait3A_519 = arith.constant 0 : i32
      %dma_wait3A_520 = tpu.memref_slice %arg8[%dma_wait3A_518, %dma_wait3A_519] : memref<4096x64xf32, #tpu.memory_space<vmem_shared>> -> memref<4096x64xf32, #tpu.memory_space<vmem_shared>>
      tpu.wait_indirect_dma semaphore(%run_scoped3A_508 : memref<!tpu.dma_semaphore, #tpu.memory_space<semaphore_mem>>) src(%dma_wait3A_517 : memref<128x64xf32, #tpu.memory_space<vmem>>) dst(%dma_wait3A_520 : memref<4096x64xf32, #tpu.memory_space<vmem_shared>>)
      tpu.yield
    }) : () -> ()
    "tpu.region"() ({
      %run_scoped3A_508 = tpu.sem_alloc : memref<!tpu.dma_semaphore, #tpu.memory_space<semaphore_mem>>
      %dma_start3A_509 = arith.constant 384 : i32
      %dma_start3A_510 = arith.constant 0 : i32
      %dma_start3A_511 = tpu.memref_slice %arg7[%dma_start3A_509, %dma_start3A_510] : memref<1024x64xf32, #tpu.memory_space<vmem>> -> memref<128x64xf32, #tpu.memory_space<vmem>>
      %dma_start3A_512 = arith.constant 0 : i32
      %dma_start3A_513 = arith.constant 0 : i32
      %dma_start3A_514 = tpu.memref_slice %arg8[%dma_start3A_512, %dma_start3A_513] : memref<4096x64xf32, #tpu.memory_space<vmem_shared>> -> memref<4096x64xf32, #tpu.memory_space<vmem_shared>>
      tpu.enqueue_indirect_dma source(%dma_start3A_511 : memref<128x64xf32, #tpu.memory_space<vmem>>) target(%dma_start3A_514 : memref<4096x64xf32, #tpu.memory_space<vmem_shared>>) offsets(%arg10 : memref<128xi32, #tpu.memory_space<vmem>>) semaphore(%run_scoped3A_508 : memref<!tpu.dma_semaphore, #tpu.memory_space<semaphore_mem>>) {add = true}
      %dma_wait3A_515 = arith.constant 384 : i32
      %dma_wait3A_516 = arith.constant 0 : i32
      %dma_wait3A_517 = tpu.memref_slice %arg7[%dma_wait3A_515, %dma_wait3A_516] : memref<1024x64xf32, #tpu.memory_space<vmem>> -> memref<128x64xf32, #tpu.memory_space<vmem>>
      %dma_wait3A_518 = arith.constant 0 : i32
      %dma_wait3A_519 = arith.constant 0 : i32
      %dma_wait3A_520 = tpu.memref_slice %arg8[%dma_wait3A_518, %dma_wait3A_519] : memref<4096x64xf32, #tpu.memory_space<vmem_shared>> -> memref<4096x64xf32, #tpu.memory_space<vmem_shared>>
      tpu.wait_indirect_dma semaphore(%run_scoped3A_508 : memref<!tpu.dma_semaphore, #tpu.memory_space<semaphore_mem>>) src(%dma_wait3A_517 : memref<128x64xf32, #tpu.memory_space<vmem>>) dst(%dma_wait3A_520 : memref<4096x64xf32, #tpu.memory_space<vmem_shared>>)
      tpu.yield
    }) : () -> ()
    "tpu.region"() ({
      %run_scoped3A_508 = tpu.sem_alloc : memref<!tpu.dma_semaphore, #tpu.memory_space<semaphore_mem>>
      %dma_start3A_509 = arith.constant 512 : i32
      %dma_start3A_510 = arith.constant 0 : i32
      %dma_start3A_511 = tpu.memref_slice %arg7[%dma_start3A_509, %dma_start3A_510] : memref<1024x64xf32, #tpu.memory_space<vmem>> -> memref<128x64xf32, #tpu.memory_space<vmem>>
      %dma_start3A_512 = arith.constant 0 : i32
      %dma_start3A_513 = arith.constant 0 : i32
      %dma_start3A_514 = tpu.memref_slice %arg8[%dma_start3A_512, %dma_start3A_513] : memref<4096x64xf32, #tpu.memory_space<vmem_shared>> -> memref<4096x64xf32, #tpu.memory_space<vmem_shared>>
      tpu.enqueue_indirect_dma source(%dma_start3A_511 : memref<128x64xf32, #tpu.memory_space<vmem>>) target(%dma_start3A_514 : memref<4096x64xf32, #tpu.memory_space<vmem_shared>>) offsets(%arg11 : memref<128xi32, #tpu.memory_space<vmem>>) semaphore(%run_scoped3A_508 : memref<!tpu.dma_semaphore, #tpu.memory_space<semaphore_mem>>) {add = true}
      %dma_wait3A_515 = arith.constant 512 : i32
      %dma_wait3A_516 = arith.constant 0 : i32
      %dma_wait3A_517 = tpu.memref_slice %arg7[%dma_wait3A_515, %dma_wait3A_516] : memref<1024x64xf32, #tpu.memory_space<vmem>> -> memref<128x64xf32, #tpu.memory_space<vmem>>
      %dma_wait3A_518 = arith.constant 0 : i32
      %dma_wait3A_519 = arith.constant 0 : i32
      %dma_wait3A_520 = tpu.memref_slice %arg8[%dma_wait3A_518, %dma_wait3A_519] : memref<4096x64xf32, #tpu.memory_space<vmem_shared>> -> memref<4096x64xf32, #tpu.memory_space<vmem_shared>>
      tpu.wait_indirect_dma semaphore(%run_scoped3A_508 : memref<!tpu.dma_semaphore, #tpu.memory_space<semaphore_mem>>) src(%dma_wait3A_517 : memref<128x64xf32, #tpu.memory_space<vmem>>) dst(%dma_wait3A_520 : memref<4096x64xf32, #tpu.memory_space<vmem_shared>>)
      tpu.yield
    }) : () -> ()
    "tpu.region"() ({
      %run_scoped3A_508 = tpu.sem_alloc : memref<!tpu.dma_semaphore, #tpu.memory_space<semaphore_mem>>
      %dma_start3A_509 = arith.constant 640 : i32
      %dma_start3A_510 = arith.constant 0 : i32
      %dma_start3A_511 = tpu.memref_slice %arg7[%dma_start3A_509, %dma_start3A_510] : memref<1024x64xf32, #tpu.memory_space<vmem>> -> memref<128x64xf32, #tpu.memory_space<vmem>>
      %dma_start3A_512 = arith.constant 0 : i32
      %dma_start3A_513 = arith.constant 0 : i32
      %dma_start3A_514 = tpu.memref_slice %arg8[%dma_start3A_512, %dma_start3A_513] : memref<4096x64xf32, #tpu.memory_space<vmem_shared>> -> memref<4096x64xf32, #tpu.memory_space<vmem_shared>>
      tpu.enqueue_indirect_dma source(%dma_start3A_511 : memref<128x64xf32, #tpu.memory_space<vmem>>) target(%dma_start3A_514 : memref<4096x64xf32, #tpu.memory_space<vmem_shared>>) offsets(%arg12 : memref<128xi32, #tpu.memory_space<vmem>>) semaphore(%run_scoped3A_508 : memref<!tpu.dma_semaphore, #tpu.memory_space<semaphore_mem>>) {add = true}
      %dma_wait3A_515 = arith.constant 640 : i32
      %dma_wait3A_516 = arith.constant 0 : i32
      %dma_wait3A_517 = tpu.memref_slice %arg7[%dma_wait3A_515, %dma_wait3A_516] : memref<1024x64xf32, #tpu.memory_space<vmem>> -> memref<128x64xf32, #tpu.memory_space<vmem>>
      %dma_wait3A_518 = arith.constant 0 : i32
      %dma_wait3A_519 = arith.constant 0 : i32
      %dma_wait3A_520 = tpu.memref_slice %arg8[%dma_wait3A_518, %dma_wait3A_519] : memref<4096x64xf32, #tpu.memory_space<vmem_shared>> -> memref<4096x64xf32, #tpu.memory_space<vmem_shared>>
      tpu.wait_indirect_dma semaphore(%run_scoped3A_508 : memref<!tpu.dma_semaphore, #tpu.memory_space<semaphore_mem>>) src(%dma_wait3A_517 : memref<128x64xf32, #tpu.memory_space<vmem>>) dst(%dma_wait3A_520 : memref<4096x64xf32, #tpu.memory_space<vmem_shared>>)
      tpu.yield
    }) : () -> ()
    "tpu.region"() ({
      %run_scoped3A_508 = tpu.sem_alloc : memref<!tpu.dma_semaphore, #tpu.memory_space<semaphore_mem>>
      %dma_start3A_509 = arith.constant 768 : i32
      %dma_start3A_510 = arith.constant 0 : i32
      %dma_start3A_511 = tpu.memref_slice %arg7[%dma_start3A_509, %dma_start3A_510] : memref<1024x64xf32, #tpu.memory_space<vmem>> -> memref<128x64xf32, #tpu.memory_space<vmem>>
      %dma_start3A_512 = arith.constant 0 : i32
      %dma_start3A_513 = arith.constant 0 : i32
      %dma_start3A_514 = tpu.memref_slice %arg8[%dma_start3A_512, %dma_start3A_513] : memref<4096x64xf32, #tpu.memory_space<vmem_shared>> -> memref<4096x64xf32, #tpu.memory_space<vmem_shared>>
      tpu.enqueue_indirect_dma source(%dma_start3A_511 : memref<128x64xf32, #tpu.memory_space<vmem>>) target(%dma_start3A_514 : memref<4096x64xf32, #tpu.memory_space<vmem_shared>>) offsets(%arg13 : memref<128xi32, #tpu.memory_space<vmem>>) semaphore(%run_scoped3A_508 : memref<!tpu.dma_semaphore, #tpu.memory_space<semaphore_mem>>) {add = true}
      %dma_wait3A_515 = arith.constant 768 : i32
      %dma_wait3A_516 = arith.constant 0 : i32
      %dma_wait3A_517 = tpu.memref_slice %arg7[%dma_wait3A_515, %dma_wait3A_516] : memref<1024x64xf32, #tpu.memory_space<vmem>> -> memref<128x64xf32, #tpu.memory_space<vmem>>
      %dma_wait3A_518 = arith.constant 0 : i32
      %dma_wait3A_519 = arith.constant 0 : i32
      %dma_wait3A_520 = tpu.memref_slice %arg8[%dma_wait3A_518, %dma_wait3A_519] : memref<4096x64xf32, #tpu.memory_space<vmem_shared>> -> memref<4096x64xf32, #tpu.memory_space<vmem_shared>>
      tpu.wait_indirect_dma semaphore(%run_scoped3A_508 : memref<!tpu.dma_semaphore, #tpu.memory_space<semaphore_mem>>) src(%dma_wait3A_517 : memref<128x64xf32, #tpu.memory_space<vmem>>) dst(%dma_wait3A_520 : memref<4096x64xf32, #tpu.memory_space<vmem_shared>>)
      tpu.yield
    }) : () -> ()
    "tpu.region"() ({
      %run_scoped3A_508 = tpu.sem_alloc : memref<!tpu.dma_semaphore, #tpu.memory_space<semaphore_mem>>
      %dma_start3A_509 = arith.constant 896 : i32
      %dma_start3A_510 = arith.constant 0 : i32
      %dma_start3A_511 = tpu.memref_slice %arg7[%dma_start3A_509, %dma_start3A_510] : memref<1024x64xf32, #tpu.memory_space<vmem>> -> memref<128x64xf32, #tpu.memory_space<vmem>>
      %dma_start3A_512 = arith.constant 0 : i32
      %dma_start3A_513 = arith.constant 0 : i32
      %dma_start3A_514 = tpu.memref_slice %arg8[%dma_start3A_512, %dma_start3A_513] : memref<4096x64xf32, #tpu.memory_space<vmem_shared>> -> memref<4096x64xf32, #tpu.memory_space<vmem_shared>>
      tpu.enqueue_indirect_dma source(%dma_start3A_511 : memref<128x64xf32, #tpu.memory_space<vmem>>) target(%dma_start3A_514 : memref<4096x64xf32, #tpu.memory_space<vmem_shared>>) offsets(%arg14 : memref<128xi32, #tpu.memory_space<vmem>>) semaphore(%run_scoped3A_508 : memref<!tpu.dma_semaphore, #tpu.memory_space<semaphore_mem>>) {add = true}
      %dma_wait3A_515 = arith.constant 896 : i32
      %dma_wait3A_516 = arith.constant 0 : i32
      %dma_wait3A_517 = tpu.memref_slice %arg7[%dma_wait3A_515, %dma_wait3A_516] : memref<1024x64xf32, #tpu.memory_space<vmem>> -> memref<128x64xf32, #tpu.memory_space<vmem>>
      %dma_wait3A_518 = arith.constant 0 : i32
      %dma_wait3A_519 = arith.constant 0 : i32
      %dma_wait3A_520 = tpu.memref_slice %arg8[%dma_wait3A_518, %dma_wait3A_519] : memref<4096x64xf32, #tpu.memory_space<vmem_shared>> -> memref<4096x64xf32, #tpu.memory_space<vmem_shared>>
      tpu.wait_indirect_dma semaphore(%run_scoped3A_508 : memref<!tpu.dma_semaphore, #tpu.memory_space<semaphore_mem>>) src(%dma_wait3A_517 : memref<128x64xf32, #tpu.memory_space<vmem>>) dst(%dma_wait3A_520 : memref<4096x64xf32, #tpu.memory_space<vmem_shared>>)
      tpu.yield
    }) : () -> ()
    %mul3A_250 = arith.constant 512 : i32
    %mul3A_251 = arith.muli %add3A, %mul3A_250 : i32
    %add3A_252 = arith.constant 0 : i32
    %add3A_253 = arith.addi %mul3A_251, %add3A_252 : i32
    %mul3A_254 = arith.constant 256 : i32
    %mul3A_255 = arith.muli %arg1, %mul3A_254 : i32
    "tpu.region"() ({
      %run_scoped3A_508 = tpu.sem_alloc : memref<!tpu.dma_semaphore, #tpu.memory_space<semaphore_mem>>
      %dma_start3A_509 = arith.constant 0 : i32
      %dma_start3A_510 = tpu.memref_slice %arg5[%add3A_253, %dma_start3A_509] : memref<16384x64xf32, #tpu.memory_space<hbm>> -> memref<256x64xf32, #tpu.memory_space<hbm>>
      %dma_start3A_511 = arith.constant 0 : i32
      %dma_start3A_512 = tpu.memref_slice %arg8[%mul3A_255, %dma_start3A_511] : memref<4096x64xf32, #tpu.memory_space<vmem_shared>> -> memref<256x64xf32, #tpu.memory_space<vmem_shared>>
      tpu.enqueue_dma source(%dma_start3A_512 : memref<256x64xf32, #tpu.memory_space<vmem_shared>>) target(%dma_start3A_510 : memref<256x64xf32, #tpu.memory_space<hbm>>) target_semaphore(%run_scoped3A_508 : memref<!tpu.dma_semaphore, #tpu.memory_space<semaphore_mem>>)
      %dma_wait3A_513 = arith.constant 0 : i32
      %dma_wait3A_514 = tpu.memref_slice %arg5[%add3A_253, %dma_wait3A_513] : memref<16384x64xf32, #tpu.memory_space<hbm>> -> memref<256x64xf32, #tpu.memory_space<hbm>>
      %dma_wait3A_515 = arith.constant 0 : i32
      %dma_wait3A_516 = tpu.memref_slice %arg8[%mul3A_255, %dma_wait3A_515] : memref<4096x64xf32, #tpu.memory_space<vmem_shared>> -> memref<256x64xf32, #tpu.memory_space<vmem_shared>>
      tpu.wait_dma2 semaphore(%run_scoped3A_508 : memref<!tpu.dma_semaphore, #tpu.memory_space<semaphore_mem>>) src(%dma_wait3A_516 : memref<256x64xf32, #tpu.memory_space<vmem_shared>>) dst(%dma_wait3A_514 : memref<256x64xf32, #tpu.memory_space<hbm>>)
      tpu.yield
    }) : () -> ()
    %mul3A_256 = arith.constant 2 : i32
    %mul3A_257 = arith.muli %add3A, %mul3A_256 : i32
    %add3A_258 = arith.constant 1 : i32
    %add3A_259 = arith.addi %mul3A_257, %add3A_258 : i32
    "tpu.region"() ({
      %run_scoped3A_508 = tpu.sem_alloc : memref<!tpu.dma_semaphore, #tpu.memory_space<semaphore_mem>>
      %dma_start3A_509 = arith.constant 0 : i32
      %dma_start3A_510 = arith.constant 0 : i32
      %dma_start3A_511 = tpu.memref_slice %arg3[%add3A_259, %dma_start3A_509, %dma_start3A_510] : memref<64x8x128xi32, #tpu.memory_space<hbm>> -> memref<1x8x128xi32, #tpu.memory_space<hbm>>
      %dma_start3A_512 = tpu.memref_squeeze %dma_start3A_511 : memref<1x8x128xi32, #tpu.memory_space<hbm>> -> memref<8x128xi32, #tpu.memory_space<hbm>>
      %dma_start3A_513 = arith.constant 0 : i32
      %dma_start3A_514 = arith.constant 0 : i32
      %dma_start3A_515 = tpu.memref_slice %arg3[%add3A_259, %dma_start3A_513, %dma_start3A_514] : memref<64x8x128xi32, #tpu.memory_space<hbm>> -> memref<1x8x128xi32, #tpu.memory_space<hbm>>
      %dma_start3A_516 = tpu.memref_squeeze %dma_start3A_515 : memref<1x8x128xi32, #tpu.memory_space<hbm>> -> memref<8x128xi32, #tpu.memory_space<hbm>>
      tpu.enqueue_dma source(%dma_start3A_516 : memref<8x128xi32, #tpu.memory_space<hbm>>) target(%arg6 : memref<8x128xi32, #tpu.memory_space<vmem>>) target_semaphore(%run_scoped3A_508 : memref<!tpu.dma_semaphore, #tpu.memory_space<semaphore_mem>>)
      %dma_wait3A_517 = arith.constant 0 : i32
      %dma_wait3A_518 = arith.constant 0 : i32
      %dma_wait3A_519 = tpu.memref_slice %arg3[%add3A_259, %dma_wait3A_517, %dma_wait3A_518] : memref<64x8x128xi32, #tpu.memory_space<hbm>> -> memref<1x8x128xi32, #tpu.memory_space<hbm>>
      %dma_wait3A_520 = tpu.memref_squeeze %dma_wait3A_519 : memref<1x8x128xi32, #tpu.memory_space<hbm>> -> memref<8x128xi32, #tpu.memory_space<hbm>>
      %dma_wait3A_521 = arith.constant 0 : i32
      %dma_wait3A_522 = arith.constant 0 : i32
      %dma_wait3A_523 = tpu.memref_slice %arg3[%add3A_259, %dma_wait3A_521, %dma_wait3A_522] : memref<64x8x128xi32, #tpu.memory_space<hbm>> -> memref<1x8x128xi32, #tpu.memory_space<hbm>>
      %dma_wait3A_524 = tpu.memref_squeeze %dma_wait3A_523 : memref<1x8x128xi32, #tpu.memory_space<hbm>> -> memref<8x128xi32, #tpu.memory_space<hbm>>
      tpu.wait_dma2 semaphore(%run_scoped3A_508 : memref<!tpu.dma_semaphore, #tpu.memory_space<semaphore_mem>>) src(%dma_wait3A_524 : memref<8x128xi32, #tpu.memory_space<hbm>>) dst(%arg6 : memref<8x128xi32, #tpu.memory_space<vmem>>)
      tpu.yield
    }) : () -> ()
    %dma_start3A_260 = arith.constant 0 : i32
    %dma_start3A_261 = arith.constant 0 : i32
    %dma_start3A_262 = arith.constant 0 : i32
    %dma_start3A_263 = arith.constant 0 : i32
    %dma_start3A_264 = tpu.memref_slice %arg7[%dma_start3A_262, %dma_start3A_263] : memref<1024x64xf32, #tpu.memory_space<vmem>> -> memref<128x64xf32, #tpu.memory_space<vmem>>
    %dma_start3A_265 = arith.constant 0 : i32
    %dma_start3A_266 = tpu.memref_slice %arg6[%dma_start3A_261, %dma_start3A_265] : memref<8x128xi32, #tpu.memory_space<vmem>> -> memref<1x128xi32, #tpu.memory_space<vmem>>
    %dma_start3A_267 = tpu.memref_squeeze %dma_start3A_266 : memref<1x128xi32, #tpu.memory_space<vmem>> -> memref<128xi32, #tpu.memory_space<vmem>>
    %dma_start3A_268 = arith.constant 0 : i32
    %dma_start3A_269 = arith.constant 0 : i32
    %dma_start3A_270 = tpu.memref_slice %arg2[%dma_start3A_260, %dma_start3A_268, %dma_start3A_269] : memref<4x250000x64xf32, #tpu.memory_space<hbm>> -> memref<1x250000x64xf32, #tpu.memory_space<hbm>>
    %dma_start3A_271 = tpu.memref_squeeze %dma_start3A_270 : memref<1x250000x64xf32, #tpu.memory_space<hbm>> -> memref<250000x64xf32, #tpu.memory_space<hbm>>
    %dma_start3A_272 = arith.constant 0 : i32
    %dma_start3A_273 = arith.constant 0 : i32
    %dma_start3A_274 = tpu.memref_slice %dma_start3A_271[%dma_start3A_272, %dma_start3A_273] : memref<250000x64xf32, #tpu.memory_space<hbm>> -> memref<250000x64xf32, #tpu.memory_space<hbm>>
    tpu.enqueue_indirect_dma source(%dma_start3A_274 : memref<250000x64xf32, #tpu.memory_space<hbm>>) target(%dma_start3A_264 : memref<128x64xf32, #tpu.memory_space<vmem>>) offsets(%dma_start3A_267 : memref<128xi32, #tpu.memory_space<vmem>>) semaphore(%arg15 : memref<!tpu.dma_semaphore, #tpu.memory_space<semaphore_mem>>)
    %dma_start3A_275 = arith.constant 0 : i32
    %dma_start3A_276 = arith.constant 1 : i32
    %dma_start3A_277 = arith.constant 128 : i32
    %dma_start3A_278 = arith.constant 0 : i32
    %dma_start3A_279 = tpu.memref_slice %arg7[%dma_start3A_277, %dma_start3A_278] : memref<1024x64xf32, #tpu.memory_space<vmem>> -> memref<128x64xf32, #tpu.memory_space<vmem>>
    %dma_start3A_280 = arith.constant 0 : i32
    %dma_start3A_281 = tpu.memref_slice %arg6[%dma_start3A_276, %dma_start3A_280] : memref<8x128xi32, #tpu.memory_space<vmem>> -> memref<1x128xi32, #tpu.memory_space<vmem>>
    %dma_start3A_282 = tpu.memref_squeeze %dma_start3A_281 : memref<1x128xi32, #tpu.memory_space<vmem>> -> memref<128xi32, #tpu.memory_space<vmem>>
    %dma_start3A_283 = arith.constant 0 : i32
    %dma_start3A_284 = arith.constant 0 : i32
    %dma_start3A_285 = tpu.memref_slice %arg2[%dma_start3A_275, %dma_start3A_283, %dma_start3A_284] : memref<4x250000x64xf32, #tpu.memory_space<hbm>> -> memref<1x250000x64xf32, #tpu.memory_space<hbm>>
    %dma_start3A_286 = tpu.memref_squeeze %dma_start3A_285 : memref<1x250000x64xf32, #tpu.memory_space<hbm>> -> memref<250000x64xf32, #tpu.memory_space<hbm>>
    %dma_start3A_287 = arith.constant 0 : i32
    %dma_start3A_288 = arith.constant 0 : i32
    %dma_start3A_289 = tpu.memref_slice %dma_start3A_286[%dma_start3A_287, %dma_start3A_288] : memref<250000x64xf32, #tpu.memory_space<hbm>> -> memref<250000x64xf32, #tpu.memory_space<hbm>>
    tpu.enqueue_indirect_dma source(%dma_start3A_289 : memref<250000x64xf32, #tpu.memory_space<hbm>>) target(%dma_start3A_279 : memref<128x64xf32, #tpu.memory_space<vmem>>) offsets(%dma_start3A_282 : memref<128xi32, #tpu.memory_space<vmem>>) semaphore(%arg15 : memref<!tpu.dma_semaphore, #tpu.memory_space<semaphore_mem>>)
    %dma_start3A_290 = arith.constant 1 : i32
    %dma_start3A_291 = arith.constant 2 : i32
    %dma_start3A_292 = arith.constant 256 : i32
    %dma_start3A_293 = arith.constant 0 : i32
    %dma_start3A_294 = tpu.memref_slice %arg7[%dma_start3A_292, %dma_start3A_293] : memref<1024x64xf32, #tpu.memory_space<vmem>> -> memref<128x64xf32, #tpu.memory_space<vmem>>
    %dma_start3A_295 = arith.constant 0 : i32
    %dma_start3A_296 = tpu.memref_slice %arg6[%dma_start3A_291, %dma_start3A_295] : memref<8x128xi32, #tpu.memory_space<vmem>> -> memref<1x128xi32, #tpu.memory_space<vmem>>
    %dma_start3A_297 = tpu.memref_squeeze %dma_start3A_296 : memref<1x128xi32, #tpu.memory_space<vmem>> -> memref<128xi32, #tpu.memory_space<vmem>>
    %dma_start3A_298 = arith.constant 0 : i32
    %dma_start3A_299 = arith.constant 0 : i32
    %dma_start3A_300 = tpu.memref_slice %arg2[%dma_start3A_290, %dma_start3A_298, %dma_start3A_299] : memref<4x250000x64xf32, #tpu.memory_space<hbm>> -> memref<1x250000x64xf32, #tpu.memory_space<hbm>>
    %dma_start3A_301 = tpu.memref_squeeze %dma_start3A_300 : memref<1x250000x64xf32, #tpu.memory_space<hbm>> -> memref<250000x64xf32, #tpu.memory_space<hbm>>
    %dma_start3A_302 = arith.constant 0 : i32
    %dma_start3A_303 = arith.constant 0 : i32
    %dma_start3A_304 = tpu.memref_slice %dma_start3A_301[%dma_start3A_302, %dma_start3A_303] : memref<250000x64xf32, #tpu.memory_space<hbm>> -> memref<250000x64xf32, #tpu.memory_space<hbm>>
    tpu.enqueue_indirect_dma source(%dma_start3A_304 : memref<250000x64xf32, #tpu.memory_space<hbm>>) target(%dma_start3A_294 : memref<128x64xf32, #tpu.memory_space<vmem>>) offsets(%dma_start3A_297 : memref<128xi32, #tpu.memory_space<vmem>>) semaphore(%arg15 : memref<!tpu.dma_semaphore, #tpu.memory_space<semaphore_mem>>)
    %dma_start3A_305 = arith.constant 1 : i32
    %dma_start3A_306 = arith.constant 3 : i32
    %dma_start3A_307 = arith.constant 384 : i32
    %dma_start3A_308 = arith.constant 0 : i32
    %dma_start3A_309 = tpu.memref_slice %arg7[%dma_start3A_307, %dma_start3A_308] : memref<1024x64xf32, #tpu.memory_space<vmem>> -> memref<128x64xf32, #tpu.memory_space<vmem>>
    %dma_start3A_310 = arith.constant 0 : i32
    %dma_start3A_311 = tpu.memref_slice %arg6[%dma_start3A_306, %dma_start3A_310] : memref<8x128xi32, #tpu.memory_space<vmem>> -> memref<1x128xi32, #tpu.memory_space<vmem>>
    %dma_start3A_312 = tpu.memref_squeeze %dma_start3A_311 : memref<1x128xi32, #tpu.memory_space<vmem>> -> memref<128xi32, #tpu.memory_space<vmem>>
    %dma_start3A_313 = arith.constant 0 : i32
    %dma_start3A_314 = arith.constant 0 : i32
    %dma_start3A_315 = tpu.memref_slice %arg2[%dma_start3A_305, %dma_start3A_313, %dma_start3A_314] : memref<4x250000x64xf32, #tpu.memory_space<hbm>> -> memref<1x250000x64xf32, #tpu.memory_space<hbm>>
    %dma_start3A_316 = tpu.memref_squeeze %dma_start3A_315 : memref<1x250000x64xf32, #tpu.memory_space<hbm>> -> memref<250000x64xf32, #tpu.memory_space<hbm>>
    %dma_start3A_317 = arith.constant 0 : i32
    %dma_start3A_318 = arith.constant 0 : i32
    %dma_start3A_319 = tpu.memref_slice %dma_start3A_316[%dma_start3A_317, %dma_start3A_318] : memref<250000x64xf32, #tpu.memory_space<hbm>> -> memref<250000x64xf32, #tpu.memory_space<hbm>>
    tpu.enqueue_indirect_dma source(%dma_start3A_319 : memref<250000x64xf32, #tpu.memory_space<hbm>>) target(%dma_start3A_309 : memref<128x64xf32, #tpu.memory_space<vmem>>) offsets(%dma_start3A_312 : memref<128xi32, #tpu.memory_space<vmem>>) semaphore(%arg15 : memref<!tpu.dma_semaphore, #tpu.memory_space<semaphore_mem>>)
    %dma_start3A_320 = arith.constant 2 : i32
    %dma_start3A_321 = arith.constant 4 : i32
    %dma_start3A_322 = arith.constant 512 : i32
    %dma_start3A_323 = arith.constant 0 : i32
    %dma_start3A_324 = tpu.memref_slice %arg7[%dma_start3A_322, %dma_start3A_323] : memref<1024x64xf32, #tpu.memory_space<vmem>> -> memref<128x64xf32, #tpu.memory_space<vmem>>
    %dma_start3A_325 = arith.constant 0 : i32
    %dma_start3A_326 = tpu.memref_slice %arg6[%dma_start3A_321, %dma_start3A_325] : memref<8x128xi32, #tpu.memory_space<vmem>> -> memref<1x128xi32, #tpu.memory_space<vmem>>
    %dma_start3A_327 = tpu.memref_squeeze %dma_start3A_326 : memref<1x128xi32, #tpu.memory_space<vmem>> -> memref<128xi32, #tpu.memory_space<vmem>>
    %dma_start3A_328 = arith.constant 0 : i32
    %dma_start3A_329 = arith.constant 0 : i32
    %dma_start3A_330 = tpu.memref_slice %arg2[%dma_start3A_320, %dma_start3A_328, %dma_start3A_329] : memref<4x250000x64xf32, #tpu.memory_space<hbm>> -> memref<1x250000x64xf32, #tpu.memory_space<hbm>>
    %dma_start3A_331 = tpu.memref_squeeze %dma_start3A_330 : memref<1x250000x64xf32, #tpu.memory_space<hbm>> -> memref<250000x64xf32, #tpu.memory_space<hbm>>
    %dma_start3A_332 = arith.constant 0 : i32
    %dma_start3A_333 = arith.constant 0 : i32
    %dma_start3A_334 = tpu.memref_slice %dma_start3A_331[%dma_start3A_332, %dma_start3A_333] : memref<250000x64xf32, #tpu.memory_space<hbm>> -> memref<250000x64xf32, #tpu.memory_space<hbm>>
    tpu.enqueue_indirect_dma source(%dma_start3A_334 : memref<250000x64xf32, #tpu.memory_space<hbm>>) target(%dma_start3A_324 : memref<128x64xf32, #tpu.memory_space<vmem>>) offsets(%dma_start3A_327 : memref<128xi32, #tpu.memory_space<vmem>>) semaphore(%arg15 : memref<!tpu.dma_semaphore, #tpu.memory_space<semaphore_mem>>)
    %dma_start3A_335 = arith.constant 2 : i32
    %dma_start3A_336 = arith.constant 5 : i32
    %dma_start3A_337 = arith.constant 640 : i32
    %dma_start3A_338 = arith.constant 0 : i32
    %dma_start3A_339 = tpu.memref_slice %arg7[%dma_start3A_337, %dma_start3A_338] : memref<1024x64xf32, #tpu.memory_space<vmem>> -> memref<128x64xf32, #tpu.memory_space<vmem>>
    %dma_start3A_340 = arith.constant 0 : i32
    %dma_start3A_341 = tpu.memref_slice %arg6[%dma_start3A_336, %dma_start3A_340] : memref<8x128xi32, #tpu.memory_space<vmem>> -> memref<1x128xi32, #tpu.memory_space<vmem>>
    %dma_start3A_342 = tpu.memref_squeeze %dma_start3A_341 : memref<1x128xi32, #tpu.memory_space<vmem>> -> memref<128xi32, #tpu.memory_space<vmem>>
    %dma_start3A_343 = arith.constant 0 : i32
    %dma_start3A_344 = arith.constant 0 : i32
    %dma_start3A_345 = tpu.memref_slice %arg2[%dma_start3A_335, %dma_start3A_343, %dma_start3A_344] : memref<4x250000x64xf32, #tpu.memory_space<hbm>> -> memref<1x250000x64xf32, #tpu.memory_space<hbm>>
    %dma_start3A_346 = tpu.memref_squeeze %dma_start3A_345 : memref<1x250000x64xf32, #tpu.memory_space<hbm>> -> memref<250000x64xf32, #tpu.memory_space<hbm>>
    %dma_start3A_347 = arith.constant 0 : i32
    %dma_start3A_348 = arith.constant 0 : i32
    %dma_start3A_349 = tpu.memref_slice %dma_start3A_346[%dma_start3A_347, %dma_start3A_348] : memref<250000x64xf32, #tpu.memory_space<hbm>> -> memref<250000x64xf32, #tpu.memory_space<hbm>>
    tpu.enqueue_indirect_dma source(%dma_start3A_349 : memref<250000x64xf32, #tpu.memory_space<hbm>>) target(%dma_start3A_339 : memref<128x64xf32, #tpu.memory_space<vmem>>) offsets(%dma_start3A_342 : memref<128xi32, #tpu.memory_space<vmem>>) semaphore(%arg15 : memref<!tpu.dma_semaphore, #tpu.memory_space<semaphore_mem>>)
    %dma_start3A_350 = arith.constant 3 : i32
    %dma_start3A_351 = arith.constant 6 : i32
    %dma_start3A_352 = arith.constant 768 : i32
    %dma_start3A_353 = arith.constant 0 : i32
    %dma_start3A_354 = tpu.memref_slice %arg7[%dma_start3A_352, %dma_start3A_353] : memref<1024x64xf32, #tpu.memory_space<vmem>> -> memref<128x64xf32, #tpu.memory_space<vmem>>
    %dma_start3A_355 = arith.constant 0 : i32
    %dma_start3A_356 = tpu.memref_slice %arg6[%dma_start3A_351, %dma_start3A_355] : memref<8x128xi32, #tpu.memory_space<vmem>> -> memref<1x128xi32, #tpu.memory_space<vmem>>
    %dma_start3A_357 = tpu.memref_squeeze %dma_start3A_356 : memref<1x128xi32, #tpu.memory_space<vmem>> -> memref<128xi32, #tpu.memory_space<vmem>>
    %dma_start3A_358 = arith.constant 0 : i32
    %dma_start3A_359 = arith.constant 0 : i32
    %dma_start3A_360 = tpu.memref_slice %arg2[%dma_start3A_350, %dma_start3A_358, %dma_start3A_359] : memref<4x250000x64xf32, #tpu.memory_space<hbm>> -> memref<1x250000x64xf32, #tpu.memory_space<hbm>>
    %dma_start3A_361 = tpu.memref_squeeze %dma_start3A_360 : memref<1x250000x64xf32, #tpu.memory_space<hbm>> -> memref<250000x64xf32, #tpu.memory_space<hbm>>
    %dma_start3A_362 = arith.constant 0 : i32
    %dma_start3A_363 = arith.constant 0 : i32
    %dma_start3A_364 = tpu.memref_slice %dma_start3A_361[%dma_start3A_362, %dma_start3A_363] : memref<250000x64xf32, #tpu.memory_space<hbm>> -> memref<250000x64xf32, #tpu.memory_space<hbm>>
    tpu.enqueue_indirect_dma source(%dma_start3A_364 : memref<250000x64xf32, #tpu.memory_space<hbm>>) target(%dma_start3A_354 : memref<128x64xf32, #tpu.memory_space<vmem>>) offsets(%dma_start3A_357 : memref<128xi32, #tpu.memory_space<vmem>>) semaphore(%arg15 : memref<!tpu.dma_semaphore, #tpu.memory_space<semaphore_mem>>)
    %dma_start3A_365 = arith.constant 3 : i32
    %dma_start3A_366 = arith.constant 7 : i32
    %dma_start3A_367 = arith.constant 896 : i32
    %dma_start3A_368 = arith.constant 0 : i32
    %dma_start3A_369 = tpu.memref_slice %arg7[%dma_start3A_367, %dma_start3A_368] : memref<1024x64xf32, #tpu.memory_space<vmem>> -> memref<128x64xf32, #tpu.memory_space<vmem>>
    %dma_start3A_370 = arith.constant 0 : i32
    %dma_start3A_371 = tpu.memref_slice %arg6[%dma_start3A_366, %dma_start3A_370] : memref<8x128xi32, #tpu.memory_space<vmem>> -> memref<1x128xi32, #tpu.memory_space<vmem>>
    %dma_start3A_372 = tpu.memref_squeeze %dma_start3A_371 : memref<1x128xi32, #tpu.memory_space<vmem>> -> memref<128xi32, #tpu.memory_space<vmem>>
    %dma_start3A_373 = arith.constant 0 : i32
    %dma_start3A_374 = arith.constant 0 : i32
    %dma_start3A_375 = tpu.memref_slice %arg2[%dma_start3A_365, %dma_start3A_373, %dma_start3A_374] : memref<4x250000x64xf32, #tpu.memory_space<hbm>> -> memref<1x250000x64xf32, #tpu.memory_space<hbm>>
    %dma_start3A_376 = tpu.memref_squeeze %dma_start3A_375 : memref<1x250000x64xf32, #tpu.memory_space<hbm>> -> memref<250000x64xf32, #tpu.memory_space<hbm>>
    %dma_start3A_377 = arith.constant 0 : i32
    %dma_start3A_378 = arith.constant 0 : i32
    %dma_start3A_379 = tpu.memref_slice %dma_start3A_376[%dma_start3A_377, %dma_start3A_378] : memref<250000x64xf32, #tpu.memory_space<hbm>> -> memref<250000x64xf32, #tpu.memory_space<hbm>>
    tpu.enqueue_indirect_dma source(%dma_start3A_379 : memref<250000x64xf32, #tpu.memory_space<hbm>>) target(%dma_start3A_369 : memref<128x64xf32, #tpu.memory_space<vmem>>) offsets(%dma_start3A_372 : memref<128xi32, #tpu.memory_space<vmem>>) semaphore(%arg15 : memref<!tpu.dma_semaphore, #tpu.memory_space<semaphore_mem>>)
    %dma_wait3A_380 = arith.constant 0 : i32
    %dma_wait3A_381 = arith.constant 0 : i32
    %dma_wait3A_382 = arith.constant 0 : i32
    %dma_wait3A_383 = arith.constant 0 : i32
    %dma_wait3A_384 = tpu.memref_slice %arg7[%dma_wait3A_382, %dma_wait3A_383] : memref<1024x64xf32, #tpu.memory_space<vmem>> -> memref<128x64xf32, #tpu.memory_space<vmem>>
    %dma_wait3A_385 = arith.constant 0 : i32
    %dma_wait3A_386 = tpu.memref_slice %arg6[%dma_wait3A_381, %dma_wait3A_385] : memref<8x128xi32, #tpu.memory_space<vmem>> -> memref<1x128xi32, #tpu.memory_space<vmem>>
    %dma_wait3A_387 = tpu.memref_squeeze %dma_wait3A_386 : memref<1x128xi32, #tpu.memory_space<vmem>> -> memref<128xi32, #tpu.memory_space<vmem>>
    %dma_wait3A_388 = arith.constant 0 : i32
    %dma_wait3A_389 = arith.constant 0 : i32
    %dma_wait3A_390 = tpu.memref_slice %arg2[%dma_wait3A_380, %dma_wait3A_388, %dma_wait3A_389] : memref<4x250000x64xf32, #tpu.memory_space<hbm>> -> memref<1x250000x64xf32, #tpu.memory_space<hbm>>
    %dma_wait3A_391 = tpu.memref_squeeze %dma_wait3A_390 : memref<1x250000x64xf32, #tpu.memory_space<hbm>> -> memref<250000x64xf32, #tpu.memory_space<hbm>>
    %dma_wait3A_392 = arith.constant 0 : i32
    %dma_wait3A_393 = arith.constant 0 : i32
    %dma_wait3A_394 = tpu.memref_slice %dma_wait3A_391[%dma_wait3A_392, %dma_wait3A_393] : memref<250000x64xf32, #tpu.memory_space<hbm>> -> memref<250000x64xf32, #tpu.memory_space<hbm>>
    tpu.wait_indirect_dma semaphore(%arg15 : memref<!tpu.dma_semaphore, #tpu.memory_space<semaphore_mem>>) src(%dma_wait3A_394 : memref<250000x64xf32, #tpu.memory_space<hbm>>) dst(%dma_wait3A_384 : memref<128x64xf32, #tpu.memory_space<vmem>>)
    %dma_wait3A_395 = arith.constant 0 : i32
    %dma_wait3A_396 = arith.constant 1 : i32
    %dma_wait3A_397 = arith.constant 128 : i32
    %dma_wait3A_398 = arith.constant 0 : i32
    %dma_wait3A_399 = tpu.memref_slice %arg7[%dma_wait3A_397, %dma_wait3A_398] : memref<1024x64xf32, #tpu.memory_space<vmem>> -> memref<128x64xf32, #tpu.memory_space<vmem>>
    %dma_wait3A_400 = arith.constant 0 : i32
    %dma_wait3A_401 = tpu.memref_slice %arg6[%dma_wait3A_396, %dma_wait3A_400] : memref<8x128xi32, #tpu.memory_space<vmem>> -> memref<1x128xi32, #tpu.memory_space<vmem>>
    %dma_wait3A_402 = tpu.memref_squeeze %dma_wait3A_401 : memref<1x128xi32, #tpu.memory_space<vmem>> -> memref<128xi32, #tpu.memory_space<vmem>>
    %dma_wait3A_403 = arith.constant 0 : i32
    %dma_wait3A_404 = arith.constant 0 : i32
    %dma_wait3A_405 = tpu.memref_slice %arg2[%dma_wait3A_395, %dma_wait3A_403, %dma_wait3A_404] : memref<4x250000x64xf32, #tpu.memory_space<hbm>> -> memref<1x250000x64xf32, #tpu.memory_space<hbm>>
    %dma_wait3A_406 = tpu.memref_squeeze %dma_wait3A_405 : memref<1x250000x64xf32, #tpu.memory_space<hbm>> -> memref<250000x64xf32, #tpu.memory_space<hbm>>
    %dma_wait3A_407 = arith.constant 0 : i32
    %dma_wait3A_408 = arith.constant 0 : i32
    %dma_wait3A_409 = tpu.memref_slice %dma_wait3A_406[%dma_wait3A_407, %dma_wait3A_408] : memref<250000x64xf32, #tpu.memory_space<hbm>> -> memref<250000x64xf32, #tpu.memory_space<hbm>>
    tpu.wait_indirect_dma semaphore(%arg15 : memref<!tpu.dma_semaphore, #tpu.memory_space<semaphore_mem>>) src(%dma_wait3A_409 : memref<250000x64xf32, #tpu.memory_space<hbm>>) dst(%dma_wait3A_399 : memref<128x64xf32, #tpu.memory_space<vmem>>)
    %dma_wait3A_410 = arith.constant 1 : i32
    %dma_wait3A_411 = arith.constant 2 : i32
    %dma_wait3A_412 = arith.constant 256 : i32
    %dma_wait3A_413 = arith.constant 0 : i32
    %dma_wait3A_414 = tpu.memref_slice %arg7[%dma_wait3A_412, %dma_wait3A_413] : memref<1024x64xf32, #tpu.memory_space<vmem>> -> memref<128x64xf32, #tpu.memory_space<vmem>>
    %dma_wait3A_415 = arith.constant 0 : i32
    %dma_wait3A_416 = tpu.memref_slice %arg6[%dma_wait3A_411, %dma_wait3A_415] : memref<8x128xi32, #tpu.memory_space<vmem>> -> memref<1x128xi32, #tpu.memory_space<vmem>>
    %dma_wait3A_417 = tpu.memref_squeeze %dma_wait3A_416 : memref<1x128xi32, #tpu.memory_space<vmem>> -> memref<128xi32, #tpu.memory_space<vmem>>
    %dma_wait3A_418 = arith.constant 0 : i32
    %dma_wait3A_419 = arith.constant 0 : i32
    %dma_wait3A_420 = tpu.memref_slice %arg2[%dma_wait3A_410, %dma_wait3A_418, %dma_wait3A_419] : memref<4x250000x64xf32, #tpu.memory_space<hbm>> -> memref<1x250000x64xf32, #tpu.memory_space<hbm>>
    %dma_wait3A_421 = tpu.memref_squeeze %dma_wait3A_420 : memref<1x250000x64xf32, #tpu.memory_space<hbm>> -> memref<250000x64xf32, #tpu.memory_space<hbm>>
    %dma_wait3A_422 = arith.constant 0 : i32
    %dma_wait3A_423 = arith.constant 0 : i32
    %dma_wait3A_424 = tpu.memref_slice %dma_wait3A_421[%dma_wait3A_422, %dma_wait3A_423] : memref<250000x64xf32, #tpu.memory_space<hbm>> -> memref<250000x64xf32, #tpu.memory_space<hbm>>
    tpu.wait_indirect_dma semaphore(%arg15 : memref<!tpu.dma_semaphore, #tpu.memory_space<semaphore_mem>>) src(%dma_wait3A_424 : memref<250000x64xf32, #tpu.memory_space<hbm>>) dst(%dma_wait3A_414 : memref<128x64xf32, #tpu.memory_space<vmem>>)
    %dma_wait3A_425 = arith.constant 1 : i32
    %dma_wait3A_426 = arith.constant 3 : i32
    %dma_wait3A_427 = arith.constant 384 : i32
    %dma_wait3A_428 = arith.constant 0 : i32
    %dma_wait3A_429 = tpu.memref_slice %arg7[%dma_wait3A_427, %dma_wait3A_428] : memref<1024x64xf32, #tpu.memory_space<vmem>> -> memref<128x64xf32, #tpu.memory_space<vmem>>
    %dma_wait3A_430 = arith.constant 0 : i32
    %dma_wait3A_431 = tpu.memref_slice %arg6[%dma_wait3A_426, %dma_wait3A_430] : memref<8x128xi32, #tpu.memory_space<vmem>> -> memref<1x128xi32, #tpu.memory_space<vmem>>
    %dma_wait3A_432 = tpu.memref_squeeze %dma_wait3A_431 : memref<1x128xi32, #tpu.memory_space<vmem>> -> memref<128xi32, #tpu.memory_space<vmem>>
    %dma_wait3A_433 = arith.constant 0 : i32
    %dma_wait3A_434 = arith.constant 0 : i32
    %dma_wait3A_435 = tpu.memref_slice %arg2[%dma_wait3A_425, %dma_wait3A_433, %dma_wait3A_434] : memref<4x250000x64xf32, #tpu.memory_space<hbm>> -> memref<1x250000x64xf32, #tpu.memory_space<hbm>>
    %dma_wait3A_436 = tpu.memref_squeeze %dma_wait3A_435 : memref<1x250000x64xf32, #tpu.memory_space<hbm>> -> memref<250000x64xf32, #tpu.memory_space<hbm>>
    %dma_wait3A_437 = arith.constant 0 : i32
    %dma_wait3A_438 = arith.constant 0 : i32
    %dma_wait3A_439 = tpu.memref_slice %dma_wait3A_436[%dma_wait3A_437, %dma_wait3A_438] : memref<250000x64xf32, #tpu.memory_space<hbm>> -> memref<250000x64xf32, #tpu.memory_space<hbm>>
    tpu.wait_indirect_dma semaphore(%arg15 : memref<!tpu.dma_semaphore, #tpu.memory_space<semaphore_mem>>) src(%dma_wait3A_439 : memref<250000x64xf32, #tpu.memory_space<hbm>>) dst(%dma_wait3A_429 : memref<128x64xf32, #tpu.memory_space<vmem>>)
    %dma_wait3A_440 = arith.constant 2 : i32
    %dma_wait3A_441 = arith.constant 4 : i32
    %dma_wait3A_442 = arith.constant 512 : i32
    %dma_wait3A_443 = arith.constant 0 : i32
    %dma_wait3A_444 = tpu.memref_slice %arg7[%dma_wait3A_442, %dma_wait3A_443] : memref<1024x64xf32, #tpu.memory_space<vmem>> -> memref<128x64xf32, #tpu.memory_space<vmem>>
    %dma_wait3A_445 = arith.constant 0 : i32
    %dma_wait3A_446 = tpu.memref_slice %arg6[%dma_wait3A_441, %dma_wait3A_445] : memref<8x128xi32, #tpu.memory_space<vmem>> -> memref<1x128xi32, #tpu.memory_space<vmem>>
    %dma_wait3A_447 = tpu.memref_squeeze %dma_wait3A_446 : memref<1x128xi32, #tpu.memory_space<vmem>> -> memref<128xi32, #tpu.memory_space<vmem>>
    %dma_wait3A_448 = arith.constant 0 : i32
    %dma_wait3A_449 = arith.constant 0 : i32
    %dma_wait3A_450 = tpu.memref_slice %arg2[%dma_wait3A_440, %dma_wait3A_448, %dma_wait3A_449] : memref<4x250000x64xf32, #tpu.memory_space<hbm>> -> memref<1x250000x64xf32, #tpu.memory_space<hbm>>
    %dma_wait3A_451 = tpu.memref_squeeze %dma_wait3A_450 : memref<1x250000x64xf32, #tpu.memory_space<hbm>> -> memref<250000x64xf32, #tpu.memory_space<hbm>>
    %dma_wait3A_452 = arith.constant 0 : i32
    %dma_wait3A_453 = arith.constant 0 : i32
    %dma_wait3A_454 = tpu.memref_slice %dma_wait3A_451[%dma_wait3A_452, %dma_wait3A_453] : memref<250000x64xf32, #tpu.memory_space<hbm>> -> memref<250000x64xf32, #tpu.memory_space<hbm>>
    tpu.wait_indirect_dma semaphore(%arg15 : memref<!tpu.dma_semaphore, #tpu.memory_space<semaphore_mem>>) src(%dma_wait3A_454 : memref<250000x64xf32, #tpu.memory_space<hbm>>) dst(%dma_wait3A_444 : memref<128x64xf32, #tpu.memory_space<vmem>>)
    %dma_wait3A_455 = arith.constant 2 : i32
    %dma_wait3A_456 = arith.constant 5 : i32
    %dma_wait3A_457 = arith.constant 640 : i32
    %dma_wait3A_458 = arith.constant 0 : i32
    %dma_wait3A_459 = tpu.memref_slice %arg7[%dma_wait3A_457, %dma_wait3A_458] : memref<1024x64xf32, #tpu.memory_space<vmem>> -> memref<128x64xf32, #tpu.memory_space<vmem>>
    %dma_wait3A_460 = arith.constant 0 : i32
    %dma_wait3A_461 = tpu.memref_slice %arg6[%dma_wait3A_456, %dma_wait3A_460] : memref<8x128xi32, #tpu.memory_space<vmem>> -> memref<1x128xi32, #tpu.memory_space<vmem>>
    %dma_wait3A_462 = tpu.memref_squeeze %dma_wait3A_461 : memref<1x128xi32, #tpu.memory_space<vmem>> -> memref<128xi32, #tpu.memory_space<vmem>>
    %dma_wait3A_463 = arith.constant 0 : i32
    %dma_wait3A_464 = arith.constant 0 : i32
    %dma_wait3A_465 = tpu.memref_slice %arg2[%dma_wait3A_455, %dma_wait3A_463, %dma_wait3A_464] : memref<4x250000x64xf32, #tpu.memory_space<hbm>> -> memref<1x250000x64xf32, #tpu.memory_space<hbm>>
    %dma_wait3A_466 = tpu.memref_squeeze %dma_wait3A_465 : memref<1x250000x64xf32, #tpu.memory_space<hbm>> -> memref<250000x64xf32, #tpu.memory_space<hbm>>
    %dma_wait3A_467 = arith.constant 0 : i32
    %dma_wait3A_468 = arith.constant 0 : i32
    %dma_wait3A_469 = tpu.memref_slice %dma_wait3A_466[%dma_wait3A_467, %dma_wait3A_468] : memref<250000x64xf32, #tpu.memory_space<hbm>> -> memref<250000x64xf32, #tpu.memory_space<hbm>>
    tpu.wait_indirect_dma semaphore(%arg15 : memref<!tpu.dma_semaphore, #tpu.memory_space<semaphore_mem>>) src(%dma_wait3A_469 : memref<250000x64xf32, #tpu.memory_space<hbm>>) dst(%dma_wait3A_459 : memref<128x64xf32, #tpu.memory_space<vmem>>)
    %dma_wait3A_470 = arith.constant 3 : i32
    %dma_wait3A_471 = arith.constant 6 : i32
    %dma_wait3A_472 = arith.constant 768 : i32
    %dma_wait3A_473 = arith.constant 0 : i32
    %dma_wait3A_474 = tpu.memref_slice %arg7[%dma_wait3A_472, %dma_wait3A_473] : memref<1024x64xf32, #tpu.memory_space<vmem>> -> memref<128x64xf32, #tpu.memory_space<vmem>>
    %dma_wait3A_475 = arith.constant 0 : i32
    %dma_wait3A_476 = tpu.memref_slice %arg6[%dma_wait3A_471, %dma_wait3A_475] : memref<8x128xi32, #tpu.memory_space<vmem>> -> memref<1x128xi32, #tpu.memory_space<vmem>>
    %dma_wait3A_477 = tpu.memref_squeeze %dma_wait3A_476 : memref<1x128xi32, #tpu.memory_space<vmem>> -> memref<128xi32, #tpu.memory_space<vmem>>
    %dma_wait3A_478 = arith.constant 0 : i32
    %dma_wait3A_479 = arith.constant 0 : i32
    %dma_wait3A_480 = tpu.memref_slice %arg2[%dma_wait3A_470, %dma_wait3A_478, %dma_wait3A_479] : memref<4x250000x64xf32, #tpu.memory_space<hbm>> -> memref<1x250000x64xf32, #tpu.memory_space<hbm>>
    %dma_wait3A_481 = tpu.memref_squeeze %dma_wait3A_480 : memref<1x250000x64xf32, #tpu.memory_space<hbm>> -> memref<250000x64xf32, #tpu.memory_space<hbm>>
    %dma_wait3A_482 = arith.constant 0 : i32
    %dma_wait3A_483 = arith.constant 0 : i32
    %dma_wait3A_484 = tpu.memref_slice %dma_wait3A_481[%dma_wait3A_482, %dma_wait3A_483] : memref<250000x64xf32, #tpu.memory_space<hbm>> -> memref<250000x64xf32, #tpu.memory_space<hbm>>
    tpu.wait_indirect_dma semaphore(%arg15 : memref<!tpu.dma_semaphore, #tpu.memory_space<semaphore_mem>>) src(%dma_wait3A_484 : memref<250000x64xf32, #tpu.memory_space<hbm>>) dst(%dma_wait3A_474 : memref<128x64xf32, #tpu.memory_space<vmem>>)
    %dma_wait3A_485 = arith.constant 3 : i32
    %dma_wait3A_486 = arith.constant 7 : i32
    %dma_wait3A_487 = arith.constant 896 : i32
    %dma_wait3A_488 = arith.constant 0 : i32
    %dma_wait3A_489 = tpu.memref_slice %arg7[%dma_wait3A_487, %dma_wait3A_488] : memref<1024x64xf32, #tpu.memory_space<vmem>> -> memref<128x64xf32, #tpu.memory_space<vmem>>
    %dma_wait3A_490 = arith.constant 0 : i32
    %dma_wait3A_491 = tpu.memref_slice %arg6[%dma_wait3A_486, %dma_wait3A_490] : memref<8x128xi32, #tpu.memory_space<vmem>> -> memref<1x128xi32, #tpu.memory_space<vmem>>
    %dma_wait3A_492 = tpu.memref_squeeze %dma_wait3A_491 : memref<1x128xi32, #tpu.memory_space<vmem>> -> memref<128xi32, #tpu.memory_space<vmem>>
    %dma_wait3A_493 = arith.constant 0 : i32
    %dma_wait3A_494 = arith.constant 0 : i32
    %dma_wait3A_495 = tpu.memref_slice %arg2[%dma_wait3A_485, %dma_wait3A_493, %dma_wait3A_494] : memref<4x250000x64xf32, #tpu.memory_space<hbm>> -> memref<1x250000x64xf32, #tpu.memory_space<hbm>>
    %dma_wait3A_496 = tpu.memref_squeeze %dma_wait3A_495 : memref<1x250000x64xf32, #tpu.memory_space<hbm>> -> memref<250000x64xf32, #tpu.memory_space<hbm>>
    %dma_wait3A_497 = arith.constant 0 : i32
    %dma_wait3A_498 = arith.constant 0 : i32
    %dma_wait3A_499 = tpu.memref_slice %dma_wait3A_496[%dma_wait3A_497, %dma_wait3A_498] : memref<250000x64xf32, #tpu.memory_space<hbm>> -> memref<250000x64xf32, #tpu.memory_space<hbm>>
    tpu.wait_indirect_dma semaphore(%arg15 : memref<!tpu.dma_semaphore, #tpu.memory_space<semaphore_mem>>) src(%dma_wait3A_499 : memref<250000x64xf32, #tpu.memory_space<hbm>>) dst(%dma_wait3A_489 : memref<128x64xf32, #tpu.memory_space<vmem>>)
    %mul3A_500 = arith.constant 256 : i32
    %mul3A_501 = arith.muli %arg1, %mul3A_500 : i32
    "tpu.region"() ({
      %run_scoped3A_508 = tpu.sem_alloc : memref<!tpu.dma_semaphore, #tpu.memory_space<semaphore_mem>>
      %dma_start3A_509 = arith.constant 0 : i32
      %dma_start3A_510 = arith.constant 0 : i32
      %dma_start3A_511 = tpu.memref_slice %arg7[%dma_start3A_509, %dma_start3A_510] : memref<1024x64xf32, #tpu.memory_space<vmem>> -> memref<256x64xf32, #tpu.memory_space<vmem>>
      %dma_start3A_512 = arith.constant 0 : i32
      %dma_start3A_513 = tpu.memref_slice %arg8[%mul3A_501, %dma_start3A_512] : memref<4096x64xf32, #tpu.memory_space<vmem_shared>> -> memref<256x64xf32, #tpu.memory_space<vmem_shared>>
      %dma_start3A_514 = arith.constant 0 : i32
      %dma_start3A_515 = tpu.memref_slice %arg8[%mul3A_501, %dma_start3A_514] : memref<4096x64xf32, #tpu.memory_space<vmem_shared>> -> memref<256x64xf32, #tpu.memory_space<vmem_shared>>
      %dma_start3A_516 = arith.constant 0 : i32
      %dma_start3A_517 = arith.constant 0 : i32
      %dma_start3A_518 = tpu.memref_slice %arg7[%dma_start3A_516, %dma_start3A_517] : memref<1024x64xf32, #tpu.memory_space<vmem>> -> memref<256x64xf32, #tpu.memory_space<vmem>>
      tpu.enqueue_dma source(%dma_start3A_518 : memref<256x64xf32, #tpu.memory_space<vmem>>) target(%dma_start3A_515 : memref<256x64xf32, #tpu.memory_space<vmem_shared>>) target_semaphore(%run_scoped3A_508 : memref<!tpu.dma_semaphore, #tpu.memory_space<semaphore_mem>>)
      %dma_wait3A_519 = arith.constant 0 : i32
      %dma_wait3A_520 = arith.constant 0 : i32
      %dma_wait3A_521 = tpu.memref_slice %arg7[%dma_wait3A_519, %dma_wait3A_520] : memref<1024x64xf32, #tpu.memory_space<vmem>> -> memref<256x64xf32, #tpu.memory_space<vmem>>
      %dma_wait3A_522 = arith.constant 0 : i32
      %dma_wait3A_523 = tpu.memref_slice %arg8[%mul3A_501, %dma_wait3A_522] : memref<4096x64xf32, #tpu.memory_space<vmem_shared>> -> memref<256x64xf32, #tpu.memory_space<vmem_shared>>
      %dma_wait3A_524 = arith.constant 0 : i32
      %dma_wait3A_525 = tpu.memref_slice %arg8[%mul3A_501, %dma_wait3A_524] : memref<4096x64xf32, #tpu.memory_space<vmem_shared>> -> memref<256x64xf32, #tpu.memory_space<vmem_shared>>
      %dma_wait3A_526 = arith.constant 0 : i32
      %dma_wait3A_527 = arith.constant 0 : i32
      %dma_wait3A_528 = tpu.memref_slice %arg7[%dma_wait3A_526, %dma_wait3A_527] : memref<1024x64xf32, #tpu.memory_space<vmem>> -> memref<256x64xf32, #tpu.memory_space<vmem>>
      tpu.wait_dma2 semaphore(%run_scoped3A_508 : memref<!tpu.dma_semaphore, #tpu.memory_space<semaphore_mem>>) src(%dma_wait3A_528 : memref<256x64xf32, #tpu.memory_space<vmem>>) dst(%dma_wait3A_525 : memref<256x64xf32, #tpu.memory_space<vmem_shared>>)
      tpu.yield
    }) : () -> ()
    "tpu.region"() ({
      %run_scoped3A_508 = tpu.sem_alloc : memref<!tpu.dma_semaphore, #tpu.memory_space<semaphore_mem>>
      %dma_start3A_509 = arith.constant 256 : i32
      %dma_start3A_510 = arith.constant 0 : i32
      %dma_start3A_511 = tpu.memref_slice %arg7[%dma_start3A_509, %dma_start3A_510] : memref<1024x64xf32, #tpu.memory_space<vmem>> -> memref<128x64xf32, #tpu.memory_space<vmem>>
      %dma_start3A_512 = arith.constant 0 : i32
      %dma_start3A_513 = arith.constant 0 : i32
      %dma_start3A_514 = tpu.memref_slice %arg8[%dma_start3A_512, %dma_start3A_513] : memref<4096x64xf32, #tpu.memory_space<vmem_shared>> -> memref<4096x64xf32, #tpu.memory_space<vmem_shared>>
      tpu.enqueue_indirect_dma source(%dma_start3A_511 : memref<128x64xf32, #tpu.memory_space<vmem>>) target(%dma_start3A_514 : memref<4096x64xf32, #tpu.memory_space<vmem_shared>>) offsets(%arg9 : memref<128xi32, #tpu.memory_space<vmem>>) semaphore(%run_scoped3A_508 : memref<!tpu.dma_semaphore, #tpu.memory_space<semaphore_mem>>) {add = true}
      %dma_wait3A_515 = arith.constant 256 : i32
      %dma_wait3A_516 = arith.constant 0 : i32
      %dma_wait3A_517 = tpu.memref_slice %arg7[%dma_wait3A_515, %dma_wait3A_516] : memref<1024x64xf32, #tpu.memory_space<vmem>> -> memref<128x64xf32, #tpu.memory_space<vmem>>
      %dma_wait3A_518 = arith.constant 0 : i32
      %dma_wait3A_519 = arith.constant 0 : i32
      %dma_wait3A_520 = tpu.memref_slice %arg8[%dma_wait3A_518, %dma_wait3A_519] : memref<4096x64xf32, #tpu.memory_space<vmem_shared>> -> memref<4096x64xf32, #tpu.memory_space<vmem_shared>>
      tpu.wait_indirect_dma semaphore(%run_scoped3A_508 : memref<!tpu.dma_semaphore, #tpu.memory_space<semaphore_mem>>) src(%dma_wait3A_517 : memref<128x64xf32, #tpu.memory_space<vmem>>) dst(%dma_wait3A_520 : memref<4096x64xf32, #tpu.memory_space<vmem_shared>>)
      tpu.yield
    }) : () -> ()
    "tpu.region"() ({
      %run_scoped3A_508 = tpu.sem_alloc : memref<!tpu.dma_semaphore, #tpu.memory_space<semaphore_mem>>
      %dma_start3A_509 = arith.constant 384 : i32
      %dma_start3A_510 = arith.constant 0 : i32
      %dma_start3A_511 = tpu.memref_slice %arg7[%dma_start3A_509, %dma_start3A_510] : memref<1024x64xf32, #tpu.memory_space<vmem>> -> memref<128x64xf32, #tpu.memory_space<vmem>>
      %dma_start3A_512 = arith.constant 0 : i32
      %dma_start3A_513 = arith.constant 0 : i32
      %dma_start3A_514 = tpu.memref_slice %arg8[%dma_start3A_512, %dma_start3A_513] : memref<4096x64xf32, #tpu.memory_space<vmem_shared>> -> memref<4096x64xf32, #tpu.memory_space<vmem_shared>>
      tpu.enqueue_indirect_dma source(%dma_start3A_511 : memref<128x64xf32, #tpu.memory_space<vmem>>) target(%dma_start3A_514 : memref<4096x64xf32, #tpu.memory_space<vmem_shared>>) offsets(%arg10 : memref<128xi32, #tpu.memory_space<vmem>>) semaphore(%run_scoped3A_508 : memref<!tpu.dma_semaphore, #tpu.memory_space<semaphore_mem>>) {add = true}
      %dma_wait3A_515 = arith.constant 384 : i32
      %dma_wait3A_516 = arith.constant 0 : i32
      %dma_wait3A_517 = tpu.memref_slice %arg7[%dma_wait3A_515, %dma_wait3A_516] : memref<1024x64xf32, #tpu.memory_space<vmem>> -> memref<128x64xf32, #tpu.memory_space<vmem>>
      %dma_wait3A_518 = arith.constant 0 : i32
      %dma_wait3A_519 = arith.constant 0 : i32
      %dma_wait3A_520 = tpu.memref_slice %arg8[%dma_wait3A_518, %dma_wait3A_519] : memref<4096x64xf32, #tpu.memory_space<vmem_shared>> -> memref<4096x64xf32, #tpu.memory_space<vmem_shared>>
      tpu.wait_indirect_dma semaphore(%run_scoped3A_508 : memref<!tpu.dma_semaphore, #tpu.memory_space<semaphore_mem>>) src(%dma_wait3A_517 : memref<128x64xf32, #tpu.memory_space<vmem>>) dst(%dma_wait3A_520 : memref<4096x64xf32, #tpu.memory_space<vmem_shared>>)
      tpu.yield
    }) : () -> ()
    "tpu.region"() ({
      %run_scoped3A_508 = tpu.sem_alloc : memref<!tpu.dma_semaphore, #tpu.memory_space<semaphore_mem>>
      %dma_start3A_509 = arith.constant 512 : i32
      %dma_start3A_510 = arith.constant 0 : i32
      %dma_start3A_511 = tpu.memref_slice %arg7[%dma_start3A_509, %dma_start3A_510] : memref<1024x64xf32, #tpu.memory_space<vmem>> -> memref<128x64xf32, #tpu.memory_space<vmem>>
      %dma_start3A_512 = arith.constant 0 : i32
      %dma_start3A_513 = arith.constant 0 : i32
      %dma_start3A_514 = tpu.memref_slice %arg8[%dma_start3A_512, %dma_start3A_513] : memref<4096x64xf32, #tpu.memory_space<vmem_shared>> -> memref<4096x64xf32, #tpu.memory_space<vmem_shared>>
      tpu.enqueue_indirect_dma source(%dma_start3A_511 : memref<128x64xf32, #tpu.memory_space<vmem>>) target(%dma_start3A_514 : memref<4096x64xf32, #tpu.memory_space<vmem_shared>>) offsets(%arg11 : memref<128xi32, #tpu.memory_space<vmem>>) semaphore(%run_scoped3A_508 : memref<!tpu.dma_semaphore, #tpu.memory_space<semaphore_mem>>) {add = true}
      %dma_wait3A_515 = arith.constant 512 : i32
      %dma_wait3A_516 = arith.constant 0 : i32
      %dma_wait3A_517 = tpu.memref_slice %arg7[%dma_wait3A_515, %dma_wait3A_516] : memref<1024x64xf32, #tpu.memory_space<vmem>> -> memref<128x64xf32, #tpu.memory_space<vmem>>
      %dma_wait3A_518 = arith.constant 0 : i32
      %dma_wait3A_519 = arith.constant 0 : i32
      %dma_wait3A_520 = tpu.memref_slice %arg8[%dma_wait3A_518, %dma_wait3A_519] : memref<4096x64xf32, #tpu.memory_space<vmem_shared>> -> memref<4096x64xf32, #tpu.memory_space<vmem_shared>>
      tpu.wait_indirect_dma semaphore(%run_scoped3A_508 : memref<!tpu.dma_semaphore, #tpu.memory_space<semaphore_mem>>) src(%dma_wait3A_517 : memref<128x64xf32, #tpu.memory_space<vmem>>) dst(%dma_wait3A_520 : memref<4096x64xf32, #tpu.memory_space<vmem_shared>>)
      tpu.yield
    }) : () -> ()
    "tpu.region"() ({
      %run_scoped3A_508 = tpu.sem_alloc : memref<!tpu.dma_semaphore, #tpu.memory_space<semaphore_mem>>
      %dma_start3A_509 = arith.constant 640 : i32
      %dma_start3A_510 = arith.constant 0 : i32
      %dma_start3A_511 = tpu.memref_slice %arg7[%dma_start3A_509, %dma_start3A_510] : memref<1024x64xf32, #tpu.memory_space<vmem>> -> memref<128x64xf32, #tpu.memory_space<vmem>>
      %dma_start3A_512 = arith.constant 0 : i32
      %dma_start3A_513 = arith.constant 0 : i32
      %dma_start3A_514 = tpu.memref_slice %arg8[%dma_start3A_512, %dma_start3A_513] : memref<4096x64xf32, #tpu.memory_space<vmem_shared>> -> memref<4096x64xf32, #tpu.memory_space<vmem_shared>>
      tpu.enqueue_indirect_dma source(%dma_start3A_511 : memref<128x64xf32, #tpu.memory_space<vmem>>) target(%dma_start3A_514 : memref<4096x64xf32, #tpu.memory_space<vmem_shared>>) offsets(%arg12 : memref<128xi32, #tpu.memory_space<vmem>>) semaphore(%run_scoped3A_508 : memref<!tpu.dma_semaphore, #tpu.memory_space<semaphore_mem>>) {add = true}
      %dma_wait3A_515 = arith.constant 640 : i32
      %dma_wait3A_516 = arith.constant 0 : i32
      %dma_wait3A_517 = tpu.memref_slice %arg7[%dma_wait3A_515, %dma_wait3A_516] : memref<1024x64xf32, #tpu.memory_space<vmem>> -> memref<128x64xf32, #tpu.memory_space<vmem>>
      %dma_wait3A_518 = arith.constant 0 : i32
      %dma_wait3A_519 = arith.constant 0 : i32
      %dma_wait3A_520 = tpu.memref_slice %arg8[%dma_wait3A_518, %dma_wait3A_519] : memref<4096x64xf32, #tpu.memory_space<vmem_shared>> -> memref<4096x64xf32, #tpu.memory_space<vmem_shared>>
      tpu.wait_indirect_dma semaphore(%run_scoped3A_508 : memref<!tpu.dma_semaphore, #tpu.memory_space<semaphore_mem>>) src(%dma_wait3A_517 : memref<128x64xf32, #tpu.memory_space<vmem>>) dst(%dma_wait3A_520 : memref<4096x64xf32, #tpu.memory_space<vmem_shared>>)
      tpu.yield
    }) : () -> ()
    "tpu.region"() ({
      %run_scoped3A_508 = tpu.sem_alloc : memref<!tpu.dma_semaphore, #tpu.memory_space<semaphore_mem>>
      %dma_start3A_509 = arith.constant 768 : i32
      %dma_start3A_510 = arith.constant 0 : i32
      %dma_start3A_511 = tpu.memref_slice %arg7[%dma_start3A_509, %dma_start3A_510] : memref<1024x64xf32, #tpu.memory_space<vmem>> -> memref<128x64xf32, #tpu.memory_space<vmem>>
      %dma_start3A_512 = arith.constant 0 : i32
      %dma_start3A_513 = arith.constant 0 : i32
      %dma_start3A_514 = tpu.memref_slice %arg8[%dma_start3A_512, %dma_start3A_513] : memref<4096x64xf32, #tpu.memory_space<vmem_shared>> -> memref<4096x64xf32, #tpu.memory_space<vmem_shared>>
      tpu.enqueue_indirect_dma source(%dma_start3A_511 : memref<128x64xf32, #tpu.memory_space<vmem>>) target(%dma_start3A_514 : memref<4096x64xf32, #tpu.memory_space<vmem_shared>>) offsets(%arg13 : memref<128xi32, #tpu.memory_space<vmem>>) semaphore(%run_scoped3A_508 : memref<!tpu.dma_semaphore, #tpu.memory_space<semaphore_mem>>) {add = true}
      %dma_wait3A_515 = arith.constant 768 : i32
      %dma_wait3A_516 = arith.constant 0 : i32
      %dma_wait3A_517 = tpu.memref_slice %arg7[%dma_wait3A_515, %dma_wait3A_516] : memref<1024x64xf32, #tpu.memory_space<vmem>> -> memref<128x64xf32, #tpu.memory_space<vmem>>
      %dma_wait3A_518 = arith.constant 0 : i32
      %dma_wait3A_519 = arith.constant 0 : i32
      %dma_wait3A_520 = tpu.memref_slice %arg8[%dma_wait3A_518, %dma_wait3A_519] : memref<4096x64xf32, #tpu.memory_space<vmem_shared>> -> memref<4096x64xf32, #tpu.memory_space<vmem_shared>>
      tpu.wait_indirect_dma semaphore(%run_scoped3A_508 : memref<!tpu.dma_semaphore, #tpu.memory_space<semaphore_mem>>) src(%dma_wait3A_517 : memref<128x64xf32, #tpu.memory_space<vmem>>) dst(%dma_wait3A_520 : memref<4096x64xf32, #tpu.memory_space<vmem_shared>>)
      tpu.yield
    }) : () -> ()
    "tpu.region"() ({
      %run_scoped3A_508 = tpu.sem_alloc : memref<!tpu.dma_semaphore, #tpu.memory_space<semaphore_mem>>
      %dma_start3A_509 = arith.constant 896 : i32
      %dma_start3A_510 = arith.constant 0 : i32
      %dma_start3A_511 = tpu.memref_slice %arg7[%dma_start3A_509, %dma_start3A_510] : memref<1024x64xf32, #tpu.memory_space<vmem>> -> memref<128x64xf32, #tpu.memory_space<vmem>>
      %dma_start3A_512 = arith.constant 0 : i32
      %dma_start3A_513 = arith.constant 0 : i32
      %dma_start3A_514 = tpu.memref_slice %arg8[%dma_start3A_512, %dma_start3A_513] : memref<4096x64xf32, #tpu.memory_space<vmem_shared>> -> memref<4096x64xf32, #tpu.memory_space<vmem_shared>>
      tpu.enqueue_indirect_dma source(%dma_start3A_511 : memref<128x64xf32, #tpu.memory_space<vmem>>) target(%dma_start3A_514 : memref<4096x64xf32, #tpu.memory_space<vmem_shared>>) offsets(%arg14 : memref<128xi32, #tpu.memory_space<vmem>>) semaphore(%run_scoped3A_508 : memref<!tpu.dma_semaphore, #tpu.memory_space<semaphore_mem>>) {add = true}
      %dma_wait3A_515 = arith.constant 896 : i32
      %dma_wait3A_516 = arith.constant 0 : i32
      %dma_wait3A_517 = tpu.memref_slice %arg7[%dma_wait3A_515, %dma_wait3A_516] : memref<1024x64xf32, #tpu.memory_space<vmem>> -> memref<128x64xf32, #tpu.memory_space<vmem>>
      %dma_wait3A_518 = arith.constant 0 : i32
      %dma_wait3A_519 = arith.constant 0 : i32
      %dma_wait3A_520 = tpu.memref_slice %arg8[%dma_wait3A_518, %dma_wait3A_519] : memref<4096x64xf32, #tpu.memory_space<vmem_shared>> -> memref<4096x64xf32, #tpu.memory_space<vmem_shared>>
      tpu.wait_indirect_dma semaphore(%run_scoped3A_508 : memref<!tpu.dma_semaphore, #tpu.memory_space<semaphore_mem>>) src(%dma_wait3A_517 : memref<128x64xf32, #tpu.memory_space<vmem>>) dst(%dma_wait3A_520 : memref<4096x64xf32, #tpu.memory_space<vmem_shared>>)
      tpu.yield
    }) : () -> ()
    %mul3A_502 = arith.constant 512 : i32
    %mul3A_503 = arith.muli %add3A, %mul3A_502 : i32
    %add3A_504 = arith.constant 256 : i32
    %add3A_505 = arith.addi %mul3A_503, %add3A_504 : i32
    %mul3A_506 = arith.constant 256 : i32
    %mul3A_507 = arith.muli %arg1, %mul3A_506 : i32
    "tpu.region"() ({
      %run_scoped3A_508 = tpu.sem_alloc : memref<!tpu.dma_semaphore, #tpu.memory_space<semaphore_mem>>
      %dma_start3A_509 = arith.constant 0 : i32
      %dma_start3A_510 = tpu.memref_slice %arg5[%add3A_505, %dma_start3A_509] : memref<16384x64xf32, #tpu.memory_space<hbm>> -> memref<256x64xf32, #tpu.memory_space<hbm>>
      %dma_start3A_511 = arith.constant 0 : i32
      %dma_start3A_512 = tpu.memref_slice %arg8[%mul3A_507, %dma_start3A_511] : memref<4096x64xf32, #tpu.memory_space<vmem_shared>> -> memref<256x64xf32, #tpu.memory_space<vmem_shared>>
      tpu.enqueue_dma source(%dma_start3A_512 : memref<256x64xf32, #tpu.memory_space<vmem_shared>>) target(%dma_start3A_510 : memref<256x64xf32, #tpu.memory_space<hbm>>) target_semaphore(%run_scoped3A_508 : memref<!tpu.dma_semaphore, #tpu.memory_space<semaphore_mem>>)
      %dma_wait3A_513 = arith.constant 0 : i32
      %dma_wait3A_514 = tpu.memref_slice %arg5[%add3A_505, %dma_wait3A_513] : memref<16384x64xf32, #tpu.memory_space<hbm>> -> memref<256x64xf32, #tpu.memory_space<hbm>>
      %dma_wait3A_515 = arith.constant 0 : i32
      %dma_wait3A_516 = tpu.memref_slice %arg8[%mul3A_507, %dma_wait3A_515] : memref<4096x64xf32, #tpu.memory_space<vmem_shared>> -> memref<256x64xf32, #tpu.memory_space<vmem_shared>>
      tpu.wait_dma2 semaphore(%run_scoped3A_508 : memref<!tpu.dma_semaphore, #tpu.memory_space<semaphore_mem>>) src(%dma_wait3A_516 : memref<256x64xf32, #tpu.memory_space<vmem_shared>>) dst(%dma_wait3A_514 : memref<256x64xf32, #tpu.memory_space<hbm>>)
      tpu.yield
    }) : () -> ()
    return
  }
}

</mosaic_0001>

<sc_bundles>
// kernel: kernel.3.cloned.1.call-start
scs
__scs_entry_jumppad:
0x0: {  	(pc) =	sbr.rel $0x88, $3  }
0x1: {  	(tag) =	ssettag $0x0;
	lr =	simm.s32 $0x1  }
0x2: {  	[smem:$0x3F9F] =	sst lr;
	_ =	strace $0xD0000000  }
0x3: {  	_ = 	snop  }
0x4: {  	_ = 	snop  }
0x5: {  	_ = 	snop  }
0x6: {  	_ = 	snop  }
0x7: {  	_ = 	snop  }
__scs_overlays_trampoline_lowered:
0x8: {  	[smem:$0x3FAE] =	sst s0  }
0x9: {  	[smem:$0x3FAF] =	sst s1  }
0xa: {  	[smem:$0x3FB0] =	sst s2  }
0xb: {  	[smem:$0x3FB1] =	sst s3  }
0xc: {  	[smem:$0x3FB2] =	sst s4  }
0xd: {  	[smem:$0x3FB3] =	sst s5  }
0xe: {  	[smem:$0x3FB4] =	sst s6  }
0xf: {  	[smem:$0x3FB5] =	sst s7  }
0x10: {  	[smem:$0x3FB6] =	sst s8  }
0x11: {  	[smem:$0x3FB7] =	sst s9;
	s0 =	simm.s32 @!p0 $0x0  }
0x12: {  	s1 =	sld [smem:$0x3F9D];
	s0 =	simm.s32 @p0 $0x1  }
0x13: {  	[smem:$0x3FB8] =	sst s0;
	s0 =	simm.s32 @!p1 $0x0  }
0x14: {  	s2 =	sld [smem:$0x3F9C];
	s0 =	simm.s32 @p1 $0x1  }
0x15: {  	[smem:$0x3FB9] =	sst s0;
	s0 =	simm.s32 @!p2 $0x0  }
0x16: {  	s3 =	sld [smem:$0x3FDB];
	s0 =	simm.s32 @p2 $0x1  }
0x17: {  	s4 =	simm.s32 $0x1BF5;
	[smem:$0x3FBB] =	sst s0  }
0x18: {  	s0 =	sld [smem:$0x3F9E];
	_ =	swait.ge [sflag:s4], $0x0  }
0x19: {  	s7 =	sld [smem:$0x3F9F]  }
0x1a: {  	s8 =	sadd.s32 $0xFFFFE003, lr  }
0x1b: {  	s9 =	sadd.s32 $0xFFFFFEF7, lr;
	s5 =	simm.s32 $0xFFFFFFFF;
	p2 =	slt.u32 s8, $0xFFFFF086  }
0x1c: {  	p1 =	slt.u32 s9, $0xF7A;
	s5 =	simm.s32 @!p2 $0x0  }
0x1d: {  	s5 =	simm.s32 @p1 $0x1;
	p0 =	seq.s32 s7, s2  }
0x1e: {  	s7 =	smul.u32 @!p0 $0xF7A, s2;
	p2 =	seq.s32 @!p0 s5, $0x0  }
0x1f: {  	s9 =	smul.u32 $0xF7A, s1;
	s8 =	simm.s32 @!p0 $0x1BF5;
	p2 =	por !p2, p0  }
0x20: {  	[sflag:s8] =	ssyncset.s32 @!p0 $0xFFFFF086;
	s6 =	sadd.s32 @!p0 s3, s7;
	s7 =	simm.s32 @!p0 $0x108  }
0x21: {  	s3 =	sadd.s32 s3, s9;
	s6 =	sadd.s32 @!p0 $0x88, s6;
	s7 =	simm.s32 @p2 $0x1082  }
0x22: {  	[simem:s7], [sflag:s8] =	dma.local @!p0 [hbm:s6], $0xF7A  }
0x23: {  	s9 =	sor.u32 $0xD0000000, s2;
	s6 =	simm.s32 $0x108;
	_ =	swait.ge @!p0 [sflag:s8], $0x0  }
0x24: {  	s3 =	sadd.s32 $0x88, s3;
	s6 =	simm.s32 @!p1 $0x1082;
	[sflag:s4] =	ssyncset.s32 $0xFFFFF086  }
0x25: {  	[simem:s6], [sflag:s4] =	dma.local [hbm:s3], $0xF7A  }
0x26: {  	[smem:$0x3F9F] =	sst s1;
	(tag) =	ssettag s2;
	_ =	strace s9  }
0x27: {  	s1 =	sld [smem:$0x3FAF]  }
0x28: {  	s2 =	sld [smem:$0x3FB0]  }
0x29: {  	s4 =	sld [smem:$0x3FB2]  }
0x2a: {  	p0 =	seq.s32 s5, $0x0;
	s5 =	sld [smem:$0x3FB3]  }
0x2b: {  	s6 =	sld [smem:$0x3FB4]  }
0x2c: {  	s7 =	sld [smem:$0x3FB5]  }
0x2d: {  	s3 =	simm.s32 $0x108;
	s8 =	sld [smem:$0x3FB6]  }
0x2e: {  	s3 =	simm.s32 @!p0 $0x1082;
	s9 =	sld [smem:$0x3FB7]  }
0x2f: {  	lr =	sadd.s32 s0, s3;
	s0 =	sld [smem:$0x3FAE]  }
0x30: {  	s3 =	sld [smem:$0x3FB1]  }
0x31: {  	[smem:$0x3FBA] =	sst s10  }
0x32: {  	s10 =	sld [smem:$0x3FB8];
	_ =	sdelay $0x3  }
0x33: {  	p0 =	seq.s32 s10, $0x1;
	s10 =	sld [smem:$0x3FBA];
	_ =	sdelay $0x3  }
0x34: {  	[smem:$0x3FBA] =	sst s10  }
0x35: {  	s10 =	sld [smem:$0x3FB9];
	_ =	sdelay $0x3  }
0x36: {  	p1 =	seq.s32 s10, $0x1;
	s10 =	sld [smem:$0x3FBA];
	_ =	sdelay $0x3  }
0x37: {  	[smem:$0x3FBA] =	sst s10  }
0x38: {  	s10 =	sld [smem:$0x3FBB]  }
0x39: {  	_ = 	snop;
	(pc) =	sbr.ind lr, $3  }
0x3a: {  	_ = 	snop  }
0x3b: {  	_ = 	snop  }
0x3c: {  	p2 =	seq.s32 s10, $0x1;
	s10 =	sld [smem:$0x3FBA]  }
0x3d: {  	_ =	shalt  }
0x3e: {  	_ =	shalt  }
0x3f: {  	_ =	shalt  }
0x40: {  	_ =	shalt  }
0x41: {  	_ =	shalt  }
0x42: {  	_ =	shalt  }
0x43: {  	_ =	shalt  }
0x44: {  	_ =	shalt  }
0x45: {  	_ =	shalt  }
0x46: {  	_ =	shalt  }
0x47: {  	_ =	shalt  }
0x48: {  	_ =	shalt  }
0x49: {  	_ =	shalt  }
0x4a: {  	_ =	shalt  }
0x4b: {  	_ =	shalt  }
0x4c: {  	_ =	shalt  }
0x4d: {  	_ =	shalt  }
0x4e: {  	_ =	shalt  }
0x4f: {  	_ =	shalt  }
0x50: {  	_ =	shalt  }
0x51: {  	_ =	shalt  }
0x52: {  	_ =	shalt  }
0x53: {  	_ =	shalt  }
0x54: {  	_ =	shalt  }
0x55: {  	_ =	shalt  }
0x56: {  	_ =	shalt  }
0x57: {  	_ =	shalt  }
0x58: {  	_ =	shalt  }
0x59: {  	_ =	shalt  }
0x5a: {  	_ =	shalt  }
0x5b: {  	_ =	shalt  }
0x5c: {  	_ =	shalt  }
0x5d: {  	_ =	shalt  }
0x5e: {  	_ =	shalt  }
0x5f: {  	_ =	shalt  }
0x60: {  	_ =	shalt  }
0x61: {  	_ =	shalt  }
0x62: {  	_ =	shalt  }
0x63: {  	_ =	shalt  }
0x64: {  	_ =	shalt  }
0x65: {  	_ =	shalt  }
0x66: {  	_ =	shalt  }
0x67: {  	_ =	shalt  }
0x68: {  	_ =	shalt  }
0x69: {  	_ =	shalt  }
0x6a: {  	_ =	shalt  }
0x6b: {  	_ =	shalt  }
0x6c: {  	_ =	shalt  }
0x6d: {  	_ =	shalt  }
0x6e: {  	_ =	shalt  }
0x6f: {  	_ =	shalt  }
0x70: {  	_ =	shalt  }
0x71: {  	_ =	shalt  }
0x72: {  	_ =	shalt  }
0x73: {  	_ =	shalt  }
0x74: {  	_ =	shalt  }
0x75: {  	_ =	shalt  }
0x76: {  	_ =	shalt  }
0x77: {  	_ =	shalt  }
0x78: {  	_ =	shalt  }
0x79: {  	_ =	shalt  }
0x7a: {  	_ =	shalt  }
0x7b: {  	_ =	shalt  }
0x7c: {  	_ =	shalt  }
0x7d: {  	_ =	shalt  }
0x7e: {  	_ =	shalt  }
0x7f: {  	_ =	shalt  }
0x80: {  	_ =	shalt  }
0x81: {  	_ =	shalt  }
0x82: {  	_ =	shalt  }
0x83: {  	_ =	shalt  }
0x84: {  	_ =	shalt  }
0x85: {  	_ =	shalt  }
0x86: {  	_ =	shalt  }
0x87: {  	_ =	shalt  }
.Lfunc_end0:
.L_simem_size_0:
called_computation_lowered:
.L_overlay_start_0:
0x88: {  	s2 =	sld [smem:$0x3FD9]  }
0x89: {  	s3 =	sld [smem:$0x3FFE];
	_ =	sdelay $0x1  }
0x8a: {  	s1 =	srdreg.scid  }
0x8b: {  	s0 =	sand.u32 $0x1, s1  }
0x8c: {  	s17 =	sshll.u32 s0, $0xA;
	s2 =	sadd.s32 s3, s2  }
0x8d: {  	s2 =	sadd.s32 s2, s17  }
0x8e: {  	[smem:$0x3FC6] =	sst s2  }
0x8f: {  	_ = 	snop  }
0x90: {  	s2 =	sld [smem:$0x3FD0];
	(tm) =	ssettm $0x1  }
0x91: {  	s18 =	sld [smem:$0x3FFB];
	_ =	sdelay $0x3  }
0x92: {  	_ =	strace s18  }
0x93: {  	s3 =	sld [smem:$0x3FFC];
	_ =	sdelay $0x3  }
0x94: {  	_ =	strace s3  }
0x95: {  	s3 =	sld [smem:$0x3FFD];
	_ =	sdelay $0x3  }
0x96: {  	_ =	strace s3  }
0x97: {  	_ =	strace $0x8FFFFFFF  }
0x98: {  	s19 =	sld [smem:$0x3FDB];
	_ =	sdelay $0x1  }
0x99: {  	s4 =	simm.s32 $_scs_section_size  }
0x9a: {  	s5 =	simm.s32 $_size__tile_overlayer_lowered;
	s6 =	simm.s32 $_tile_overlayer_lowered  }
0x9b: {  	s22 =	simm.s32 $0x1BFF;
	s21 =	sshll.u32 s6, $0x1;
	s3 =	sadd.s32 s4, s19  }
0x9c: {  	s7 =	simm.s32 $0x0;
	s20 =	sshll.u32 s5, $0x1;
	s5 =	sadd.s32 s21, s3  }
0x9d: {  	[timem:s7], [sflag:s22] =	dma.local [hbm:s5], s20  }
0x9e: {  	_ =	swait.ge [sflag:s22], s20  }
0x9f: {  	s4 =	ssub.s32 $0x0, s20;
	[sflag:s22] =	ssyncset.done $0x0  }
0xa0: {  	[sflag:s22] =	ssyncadd.s32 s4;
	_ =	sdelay $0x1  }
0xa1: {  	s23 =	simm.s32 $0x1B8B  }
0xa2: {  	_ =	swait.ge [sflag:s23], $0x1  }
0xa3: {  	[sflag:s23] =	ssyncset.done $0x0  }
0xa4: {  	s25 =	simm.s32 $0x1B8E;
	s24 =	sld [smem:$0x3FFE];
	[sflag:s23] =	ssyncadd.s32 $0xFFFFFFFF  }
0xa5: {  	s26 =	simm.s32 $execute0_lowered;
	[smem:$0x3FD2] =	sst s25  }
0xa6: {  	s5 =	sshll.u32 s26, $0x1;
	_ =	strace $0x80000046;
	[dreg:$0x1] =	wrdreg $0xFFFFFFFF  }
0xa7: {  	s28 =	simm.s32 $_size_execute0_lowered;
	s3 =	sadd.s32 s3, s5;
	[dreg:$0x0] =	wrdreg $0x0  }
0xa8: {  	s5 =	sshll.u32 s28, $0x1;
	[dreg:$0x2] =	wrdreg s3  }
0xa9: {  	[dreg:$0x3] =	wrdreg s5  }
0xaa: {  	[dreg:$0x4] =	wrdreg $0xC0  }
0xab: {  	_ =	task [dreg:s7], $0x5FFFF  }
0xac: {  	[dreg:$0x1] =	wrdreg $0xFFFFFFFF  }
0xad: {  	[dreg:$0x0] =	wrdreg $0x60  }
0xae: {  	[dreg:$0x2] =	wrdreg s24  }
0xaf: {  	[dreg:$0x3] =	wrdreg s2  }
0xb0: {  	[dreg:$0x4] =	wrdreg $0x104000  }
0xb1: {  	[dreg:$0x5] =	wrdreg $0x9  }
0xb2: {  	_ =	task.clear_ibuf [dreg:s7], $0x6FFFF;
	_ =	strace $0x90000046  }
0xb3: {  	s29 =	simm.s32 $0x9;
	_ =	strace $0x80000048  }
0xb4: {  	_ =	swait.ge [sflag:s29], $0x1  }
0xb5: {  	[sflag:s29] =	ssyncadd.s32 $0xFFFFFFFF  }
0xb6: {  	_ =	strace $0x90000048  }
0xb7: {  	_ =	sfence  }
0xb8: {  	s30 =	sld [smem:$0x0];
	_ =	sdelay $0x2  }
0xb9: {  	s31 =	sshll.u32 s1, $0xD;
	s1 =	sshrl.u32 s1, $0x2  }
0xba: {  	s3 =	sand.u32 $0x4000, s31;
	s1 =	sadd.s32 s1, s30  }
0xbb: {  	s0 =	sor.u32 s3, s0;
	s1 =	sshll.u32 s1, $0x11  }
0xbc: {  	s0 =	sor.u32 s1, s0  }
0xbd: {  	s0 =	sadd.s32 $0x8F2B, s0  }
0xbe: {  	[sflag:s0] =	ssyncadd.remote.s32 $0x1  }
0xbf: {  	_ =	sfence.sel $0xFFFF  }
0xc0: {  	[dreg:$0x0] =	wrdreg $0xFFFFFFFF;
	(pc) =	sbr.abs _section_cstart, $3  }
0xc1: {  	[dreg:$0x1] =	wrdreg $0xFFFFFFFF  }
0xc2: {  	_ =	task.clear_ibuf [dreg:s7], $0x2FFFF;
	_ =	strace $0x9FFFFFFF  }
0xc3: {  	(tm) =	ssettm $0x7FFFFFFF  }
tec
execute0_lowered:
.L_overlay_start_1:
0x0: {  	(tag) =	ssettag $0x1  }
0x1: {  	s0 =	rddreg [dreg:$0x0]  }
0x2: {  	s1 =	rddreg [dreg:$0x1]  }
0x3: {  	s21 =	rddreg [dreg:$0x2];
	s30 =	stileid.u32;
	s2 =	simm.s32 $0x0  }
0x4: {  	s4 =	srdreg.scid;
	s11 =	simm.s32 $0x14400;
	s10 =	simm.s32 $0x14480  }
0x5: {  	s17 =	simm.s32 $0x6400;
	p0 =	por $0x0, $0x0;
	s16 =	simm.s32 $0xA400  }
0x6: {  	s15 =	simm.s32 $0xC400;
	s3 =	smul.u32 $0x300, s30;
	[smem:$0x7FF] =	sst s2  }
0x7: {  	s4 =	sand.u32 $0x1, s4;
	s5 =	sshll.u32 s30, $0x1;
	s8 =	sadd.s32 $0x14FBD80, s0  }
0x8: {  	s31 =	sadd.s32 $0xF43000, s0;
	s26 =	sshll.u32 s30, $0xE;
	_ =	strace $0x80000047  }
0x9: {  	s5 =	sor.u32 s4, s5;
	s4 =	ssub.s32 $0x2, s4;
	s12 =	sadd.s32 s26, s21  }
0xa: {  	s3 =	sshrl.u32 s3, $0x3;
	s7 =	sshll.u32 s5, $0x8;
	s9 =	sshrl.u32 s4, $0x1  }
0xb: {  	s24 =	sshll.u32 s5, $0xC;
	s5 =	simm.s32 $0x80;
	s3 =	sadd.s32 s3, s0  }
0xc: {  	s7 =	sadd.s32 s7, s0;
	s4 =	ssub.s32 s4, s9;
	s6 =	sadd.s32 $0x2C00, s3  }
0xd: {  	s9 =	simm.s32 $0x14500;
	s18 =	sadd.s32 $0x2C10, s3;
	[dreg:$0x4] =	wrdreg s6  }
0xe: {  	s19 =	sadd.s32 $0x2C20, s3;
	s20 =	sadd.s32 $0x2C30, s3;
	[dreg:$0x5] =	wrdreg s18  }
0xf: {  	s22 =	sadd.s32 $0x2C40, s3;
	s3 =	sadd.s32 $0x2C50, s3;
	[dreg:$0x6] =	wrdreg s19  }
0x10: {  	s23 =	sadd.s32 $0xC00, s7;
	s25 =	sadd.s32 $0xC80, s7;
	[dreg:$0x7] =	wrdreg s20  }
0x11: {  	s14 =	smax.u32 s4, $0x1;
	s7 =	simm.s32 $0x14580;
	[dreg:$0x8] =	wrdreg s22  }
0x12: {  	s4 =	simm.s32 $0x14680;
	[dreg:$0x9] =	wrdreg s3;
	s22 =	sadd.s32 $0x112B480, s0  }
0x13: {  	[dreg:$0xa] =	wrdreg s23;
	s23 =	sadd.s32 $0x1313900, s0;
	p1 =	sne.s32 s14, $0x1  }
.Ltmp0:
0x14: {  	s3 =	sadd.s32 s1, s24;
	[dreg:$0xb] =	wrdreg s25;
	(pc) =	sbr.rel @!p1 .LBB2_1-.Ltmp0, $4  }
0x15: {  	s6 =	simm.s32 $0x14600;
	s20 =	simm.s32 $0x400;
	s19 =	simm.s32 $0x4400  }
0x16: {  	s0 =	sadd.s32 $0xFFFFFFFF, s14;
	s18 =	simm.s32 $0x8400;
	[dreg:$0xd] =	wrdreg s3  }
0x17: {  	s14 =	simm.s32 $0xE400;
	s28 =	sadd.s32 $0x800, s3;
	s29 =	rddreg [dreg:$0x4]  }
0x18: {  	s24 =	simm.s32 $0x1;
	s3 =	simm.s32 $0x2;
	[dreg:$0xc] =	wrdreg s28  }
0x19: {  	[tilespmem:s11], [sflag:$0x2] =	stream.linear.gather [hbm4b:s29+s2], $0x80, $0x38;
	[tilespmem:$0x14700] =	vst v63  }
0x1a: {  	_ =	swait.ge [sflag:s3], $0x80  }
0x1b: {  	[sflag:s3] =	ssyncset.done $0x0  }
0x1c: {  	s25 =	rddreg [dreg:$0x5];
	[sflag:s3] =	ssyncadd.s32 $0xFFFFFF80  }
0x1d: {  	[tilespmem:s10], [sflag:$0x2] =	stream.linear.gather [hbm4b:s25+s2], $0x80, $0x38;
	[tilespmem:$0x14700] =	vst v63  }
0x1e: {  	_ =	swait.ge [sflag:s3], $0x80  }
0x1f: {  	[sflag:s3] =	ssyncset.done $0x0  }
0x20: {  	s15 =	rddreg [dreg:$0x6];
	[sflag:s3] =	ssyncadd.s32 $0xFFFFFF80  }
0x21: {  	[tilespmem:s9], [sflag:$0x2] =	stream.linear.gather [hbm4b:s15+s2], $0x80, $0x38;
	[tilespmem:$0x14700] =	vst v63  }
0x22: {  	_ =	swait.ge [sflag:s3], $0x80  }
0x23: {  	[sflag:s3] =	ssyncset.done $0x0  }
0x24: {  	s26 =	rddreg [dreg:$0x7];
	[sflag:s3] =	ssyncadd.s32 $0xFFFFFF80  }
0x25: {  	[tilespmem:s7], [sflag:$0x2] =	stream.linear.gather [hbm4b:s26+s2], $0x80, $0x38;
	[tilespmem:$0x14700] =	vst v63  }
0x26: {  	_ =	swait.ge [sflag:s3], $0x80  }
0x27: {  	[sflag:s3] =	ssyncset.done $0x0  }
0x28: {  	s1 =	rddreg [dreg:$0x8];
	[sflag:s3] =	ssyncadd.s32 $0xFFFFFF80  }
0x29: {  	[tilespmem:s6], [sflag:$0x2] =	stream.linear.gather [hbm4b:s1+s2], $0x80, $0x38;
	[tilespmem:$0x14700] =	vst v63  }
0x2a: {  	_ =	swait.ge [sflag:s3], $0x80  }
0x2b: {  	[sflag:s3] =	ssyncset.done $0x0  }
0x2c: {  	s6 =	rddreg [dreg:$0x9];
	[sflag:s3] =	ssyncadd.s32 $0xFFFFFF80  }
0x2d: {  	[tilespmem:s4], [sflag:$0x2] =	stream.linear.gather [hbm4b:s6+s2], $0x80, $0x38;
	[tilespmem:$0x14700] =	vst v63  }
0x2e: {  	_ =	swait.ge [sflag:s3], $0x80  }
0x2f: {  	[sflag:s3] =	ssyncset.done $0x0  }
0x30: {  	s7 =	rddreg [dreg:$0xa];
	[sflag:s3] =	ssyncadd.s32 $0xFFFFFF80  }
0x31: {  	[tilespmem:s2], [sflag:$0x2] =	stream.linear.gather [hbm4b:s7+s2], $0x400, $0x38;
	[tilespmem:$0x14700] =	vst v63  }
0x32: {  	_ =	swait.ge [sflag:s3], $0x400  }
0x33: {  	[sflag:s3] =	ssyncset.done $0x0  }
0x34: {  	[dreg:$0x14] =	wrdreg s31;
	[sflag:s3] =	ssyncadd.s32 $0xFFFFFC00  }
0x35: {  	[tilespmem:s20], [sflag:$0x1] =	stream.indirect.gather [hbm4b:s31+s5], $0x40, s2, s5, $0xb8;
	[tilespmem:$0x14700] =	vst v63  }
0x36: {  	s9 =	rddreg [dreg:$0x14];
	s31 =	simm.s32 $0x2400  }
0x37: {  	[tilespmem:s31], [sflag:$0x1] =	stream.indirect.gather [hbm4b:s9+s5], $0x40, s5, s5, $0xb8;
	[tilespmem:$0x14700] =	vst v63  }
0x38: {  	s26 =	smov.u32 s22;
	s22 =	simm.s32 $0x100  }
0x39: {  	[tilespmem:s19], [sflag:$0x1] =	stream.indirect.gather [hbm4b:s26+s5], $0x40, s22, s5, $0xb8;
	[tilespmem:$0x14700] =	vst v63  }
0x3a: {  	s14 =	smov.u32 s0;
	s0 =	smov.u32 s23;
	s23 =	simm.s32 $0x180  }
0x3b: {  	[tilespmem:s17], [sflag:$0x1] =	stream.indirect.gather [hbm4b:s26+s5], $0x40, s23, s5, $0xb8;
	[tilespmem:$0x14700] =	vst v63  }
0x3c: {  	s10 =	simm.s32 $0x200  }
0x3d: {  	[tilespmem:s18], [sflag:$0x1] =	stream.indirect.gather [hbm4b:s0+s5], $0x40, s10, s5, $0xb8;
	[tilespmem:$0x14700] =	vst v63  }
0x3e: {  	s4 =	simm.s32 $0x280  }
0x3f: {  	[tilespmem:s16], [sflag:$0x1] =	stream.indirect.gather [hbm4b:s0+s5], $0x40, s4, s5, $0xb8;
	[tilespmem:$0x14700] =	vst v63  }
0x40: {  	s1 =	smov.u32 s8;
	s6 =	simm.s32 $0x300;
	s19 =	simm.s32 $0xC400  }
0x41: {  	[tilespmem:s19], [sflag:$0x1] =	stream.indirect.gather [hbm4b:s1+s5], $0x40, s6, s5, $0xb8;
	[tilespmem:$0x14700] =	vst v63  }
0x42: {  	s28 =	simm.s32 $0xE400;
	[dreg:$0xe] =	wrdreg s12;
	s17 =	simm.s32 $0x380  }
0x43: {  	[tilespmem:s28], [sflag:$0x1] =	stream.indirect.gather [hbm4b:s1+s5], $0x40, s17, s5, $0xb8;
	[tilespmem:$0x14700] =	vst v63  }
0x44: {  	_ =	swait.ge [sflag:s24], $0x2000  }
0x45: {  	[sflag:s24] =	ssyncset.done $0x0  }
0x46: {  	[sflag:s24] =	ssyncadd.s32 $0xFFFFE000  }
0x47: {  	_ =	swait.ge [sflag:s24], $0x2000  }
0x48: {  	[sflag:s24] =	ssyncset.done $0x0  }
0x49: {  	[sflag:s24] =	ssyncadd.s32 $0xFFFFE000  }
0x4a: {  	_ =	swait.ge [sflag:s24], $0x2000  }
0x4b: {  	[sflag:s24] =	ssyncset.done $0x0  }
0x4c: {  	[sflag:s24] =	ssyncadd.s32 $0xFFFFE000  }
0x4d: {  	_ =	swait.ge [sflag:s24], $0x2000  }
0x4e: {  	[sflag:s24] =	ssyncset.done $0x0  }
0x4f: {  	[sflag:s24] =	ssyncadd.s32 $0xFFFFE000  }
0x50: {  	_ =	swait.ge [sflag:s24], $0x2000  }
0x51: {  	[sflag:s24] =	ssyncset.done $0x0  }
0x52: {  	[sflag:s24] =	ssyncadd.s32 $0xFFFFE000  }
0x53: {  	_ =	swait.ge [sflag:s24], $0x2000  }
0x54: {  	[sflag:s24] =	ssyncset.done $0x0  }
0x55: {  	[sflag:s24] =	ssyncadd.s32 $0xFFFFE000  }
0x56: {  	_ =	swait.ge [sflag:s24], $0x2000  }
0x57: {  	[sflag:s24] =	ssyncset.done $0x0  }
0x58: {  	[sflag:s24] =	ssyncadd.s32 $0xFFFFE000  }
0x59: {  	_ =	swait.ge [sflag:s24], $0x2000  }
0x5a: {  	[sflag:s24] =	ssyncset.done $0x0  }
0x5b: {  	s20 =	simm.s32 $0x400;
	s29 =	rddreg [dreg:$0xe];
	[sflag:s24] =	ssyncadd.s32 $0xFFFFE000  }
0x5c: {  	[spmem:s29] =	stream.linear.scatter [tilespmem:s20], [sflag:$0x2], $0x4000, $0x38;
	[tilespmem:$0x14700] =	vst v63  }
0x5d: {  	_ =	swait.ge [sflag:s3], $0x4000  }
0x5e: {  	[sflag:s3] =	ssyncset.done $0x0  }
0x5f: {  	s11 =	simm.s32 $0x14400;
	s8 =	simm.s32 $0x4400;
	[sflag:s3] =	ssyncadd.s32 $0xFFFFC000  }
0x60: {  	[spmem:s21] =	stream.indirect.scatter.add.f32 [tilespmem:s8], [sflag:$0x2], $0x40, s11, s5, $0xb8;
	[tilespmem:$0x14700] =	vst v63  }
0x61: {  	s12 =	rddreg [dreg:$0xe];
	_ =	swait.ge [sflag:s3], $0x2000  }
0x62: {  	[sflag:s3] =	ssyncset.done $0x0  }
0x63: {  	s10 =	simm.s32 $0x14480;
	s16 =	simm.s32 $0x6400;
	[sflag:s3] =	ssyncadd.s32 $0xFFFFE000  }
0x64: {  	[spmem:s21] =	stream.indirect.scatter.add.f32 [tilespmem:s16], [sflag:$0x2], $0x40, s10, s5, $0xb8;
	[tilespmem:$0x14700] =	vst v63  }
0x65: {  	_ =	swait.ge [sflag:s3], $0x2000  }
0x66: {  	[sflag:s3] =	ssyncset.done $0x0  }
0x67: {  	s9 =	simm.s32 $0x14500;
	s18 =	simm.s32 $0x8400;
	[sflag:s3] =	ssyncadd.s32 $0xFFFFE000  }
0x68: {  	[spmem:s21] =	stream.indirect.scatter.add.f32 [tilespmem:s18], [sflag:$0x2], $0x40, s9, s5, $0xb8;
	[tilespmem:$0x14700] =	vst v63  }
0x69: {  	_ =	swait.ge [sflag:s3], $0x2000  }
0x6a: {  	[sflag:s3] =	ssyncset.done $0x0  }
0x6b: {  	s13 =	simm.s32 $0xA400;
	s15 =	simm.s32 $0x14580;
	[sflag:s3] =	ssyncadd.s32 $0xFFFFE000  }
0x6c: {  	[spmem:s21] =	stream.indirect.scatter.add.f32 [tilespmem:s13], [sflag:$0x2], $0x40, s15, s5, $0xb8;
	[tilespmem:$0x14700] =	vst v63  }
0x6d: {  	_ =	swait.ge [sflag:s3], $0x2000  }
0x6e: {  	[sflag:s3] =	ssyncset.done $0x0  }
0x6f: {  	s7 =	simm.s32 $0x14600;
	[sflag:s3] =	ssyncadd.s32 $0xFFFFE000  }
0x70: {  	[spmem:s21] =	stream.indirect.scatter.add.f32 [tilespmem:s19], [sflag:$0x2], $0x40, s7, s5, $0xb8;
	[tilespmem:$0x14700] =	vst v63  }
0x71: {  	_ =	swait.ge [sflag:s3], $0x2000  }
0x72: {  	[sflag:s3] =	ssyncset.done $0x0  }
0x73: {  	s25 =	simm.s32 $0x14680;
	[sflag:s3] =	ssyncadd.s32 $0xFFFFE000  }
0x74: {  	[spmem:s21] =	stream.indirect.scatter.add.f32 [tilespmem:s28], [sflag:$0x2], $0x40, s25, s5, $0xb8;
	[tilespmem:$0x14700] =	vst v63  }
0x75: {  	s13 =	sshll.u32 s30, $0x6;
	_ =	swait.ge [sflag:s3], $0x2000  }
0x76: {  	s25 =	sor.u32 $0x1C02, s13;
	[sflag:s3] =	ssyncset.done $0x0  }
0x77: {  	s13 =	sshrl.u32 s12, $0x3;
	s29 =	rddreg [dreg:$0xd];
	[sflag:s3] =	ssyncadd.s32 $0xFFFFE000  }
0x78: {  	[hbm:s29], [sflag:s25] =	dma.local [spmem:s13], $0x800  }
0x79: {  	_ =	swait.ge [sflag:s3], $0x800  }
0x7a: {  	[sflag:s3] =	ssyncset.done $0x0  }
0x7b: {  	s2 =	simm.s32 $0x0;
	s29 =	rddreg [dreg:$0xb];
	[sflag:s3] =	ssyncadd.s32 $0xFFFFF800  }
0x7c: {  	[tilespmem:s2], [sflag:$0x2] =	stream.linear.gather [hbm4b:s29+s2], $0x400, $0x38;
	[tilespmem:$0x14700] =	vst v63  }
0x7d: {  	_ =	swait.ge [sflag:s3], $0x400  }
0x7e: {  	[sflag:s3] =	ssyncset.done $0x0  }
0x7f: {  	s29 =	rddreg [dreg:$0x14];
	[sflag:s3] =	ssyncadd.s32 $0xFFFFFC00  }
0x80: {  	[tilespmem:s20], [sflag:$0x1] =	stream.indirect.gather [hbm4b:s29+s5], $0x40, s2, s5, $0xb8;
	[tilespmem:$0x14700] =	vst v63  }
0x81: {  	s29 =	rddreg [dreg:$0x14]  }
0x82: {  	[tilespmem:s31], [sflag:$0x1] =	stream.indirect.gather [hbm4b:s29+s5], $0x40, s5, s5, $0xb8;
	[tilespmem:$0x14700] =	vst v63  }
0x83: {  	_ = 	snop  }
0x84: {  	[tilespmem:s8], [sflag:$0x1] =	stream.indirect.gather [hbm4b:s26+s5], $0x40, s22, s5, $0xb8;
	[tilespmem:$0x14700] =	vst v63  }
0x85: {  	_ = 	snop  }
0x86: {  	[tilespmem:s16], [sflag:$0x1] =	stream.indirect.gather [hbm4b:s26+s5], $0x40, s23, s5, $0xb8;
	[tilespmem:$0x14700] =	vst v63  }
0x87: {  	s30 =	simm.s32 $0x200  }
0x88: {  	[tilespmem:s18], [sflag:$0x1] =	stream.indirect.gather [hbm4b:s0+s5], $0x40, s30, s5, $0xb8;
	[tilespmem:$0x14700] =	vst v63  }
0x89: {  	s15 =	simm.s32 $0xA400;
	[dreg:$0x13] =	wrdreg s26  }
0x8a: {  	[tilespmem:s15], [sflag:$0x1] =	stream.indirect.gather [hbm4b:s0+s5], $0x40, s4, s5, $0xb8;
	[tilespmem:$0x14700] =	vst v63  }
0x8b: {  	[dreg:$0x11] =	wrdreg s0  }
0x8c: {  	[tilespmem:s19], [sflag:$0x1] =	stream.indirect.gather [hbm4b:s1+s5], $0x40, s6, s5, $0xb8;
	[tilespmem:$0x14700] =	vst v63  }
0x8d: {  	[dreg:$0x12] =	wrdreg s1  }
0x8e: {  	[tilespmem:s28], [sflag:$0x1] =	stream.indirect.gather [hbm4b:s1+s5], $0x40, s17, s5, $0xb8;
	[tilespmem:$0x14700] =	vst v63  }
0x8f: {  	s31 =	rddreg [dreg:$0x14];
	_ =	swait.ge [sflag:s24], $0x2000  }
0x90: {  	[sflag:s24] =	ssyncset.done $0x0  }
0x91: {  	[sflag:s24] =	ssyncadd.s32 $0xFFFFE000  }
0x92: {  	_ =	swait.ge [sflag:s24], $0x2000  }
0x93: {  	[sflag:s24] =	ssyncset.done $0x0  }
0x94: {  	[sflag:s24] =	ssyncadd.s32 $0xFFFFE000  }
0x95: {  	_ =	swait.ge [sflag:s24], $0x2000  }
0x96: {  	[sflag:s24] =	ssyncset.done $0x0  }
0x97: {  	[sflag:s24] =	ssyncadd.s32 $0xFFFFE000  }
0x98: {  	_ =	swait.ge [sflag:s24], $0x2000  }
0x99: {  	[sflag:s24] =	ssyncset.done $0x0  }
0x9a: {  	[sflag:s24] =	ssyncadd.s32 $0xFFFFE000  }
0x9b: {  	_ =	swait.ge [sflag:s24], $0x2000  }
0x9c: {  	[sflag:s24] =	ssyncset.done $0x0  }
0x9d: {  	[sflag:s24] =	ssyncadd.s32 $0xFFFFE000  }
0x9e: {  	_ =	swait.ge [sflag:s24], $0x2000  }
0x9f: {  	[sflag:s24] =	ssyncset.done $0x0  }
0xa0: {  	[sflag:s24] =	ssyncadd.s32 $0xFFFFE000  }
0xa1: {  	_ =	swait.ge [sflag:s24], $0x2000  }
0xa2: {  	[sflag:s24] =	ssyncset.done $0x0  }
0xa3: {  	[sflag:s24] =	ssyncadd.s32 $0xFFFFE000  }
0xa4: {  	_ =	swait.ge [sflag:s24], $0x2000  }
0xa5: {  	[sflag:s24] =	ssyncset.done $0x0  }
0xa6: {  	[sflag:s24] =	ssyncadd.s32 $0xFFFFE000  }
0xa7: {  	[spmem:s12] =	stream.linear.scatter [tilespmem:s20], [sflag:$0x2], $0x4000, $0x38;
	[tilespmem:$0x14700] =	vst v63  }
0xa8: {  	_ =	swait.ge [sflag:s3], $0x4000  }
0xa9: {  	[sflag:s3] =	ssyncset.done $0x0  }
0xaa: {  	s11 =	simm.s32 $0x14400;
	[sflag:s3] =	ssyncadd.s32 $0xFFFFC000  }
0xab: {  	[spmem:s21] =	stream.indirect.scatter.add.f32 [tilespmem:s8], [sflag:$0x2], $0x40, s11, s5, $0xb8;
	[tilespmem:$0x14700] =	vst v63  }
0xac: {  	_ =	swait.ge [sflag:s3], $0x2000  }
0xad: {  	[sflag:s3] =	ssyncset.done $0x0  }
0xae: {  	s10 =	simm.s32 $0x14480;
	[sflag:s3] =	ssyncadd.s32 $0xFFFFE000  }
0xaf: {  	[spmem:s21] =	stream.indirect.scatter.add.f32 [tilespmem:s16], [sflag:$0x2], $0x40, s10, s5, $0xb8;
	[tilespmem:$0x14700] =	vst v63  }
0xb0: {  	_ =	swait.ge [sflag:s3], $0x2000  }
0xb1: {  	[sflag:s3] =	ssyncset.done $0x0  }
0xb2: {  	s9 =	simm.s32 $0x14500;
	[sflag:s3] =	ssyncadd.s32 $0xFFFFE000  }
0xb3: {  	[spmem:s21] =	stream.indirect.scatter.add.f32 [tilespmem:s18], [sflag:$0x2], $0x40, s9, s5, $0xb8;
	[tilespmem:$0x14700] =	vst v63  }
0xb4: {  	_ =	swait.ge [sflag:s3], $0x2000  }
0xb5: {  	[sflag:s3] =	ssyncset.done $0x0  }
0xb6: {  	s7 =	simm.s32 $0x14580;
	[sflag:s3] =	ssyncadd.s32 $0xFFFFE000  }
0xb7: {  	[spmem:s21] =	stream.indirect.scatter.add.f32 [tilespmem:s15], [sflag:$0x2], $0x40, s7, s5, $0xb8;
	[tilespmem:$0x14700] =	vst v63  }
0xb8: {  	_ =	swait.ge [sflag:s3], $0x2000  }
0xb9: {  	[sflag:s3] =	ssyncset.done $0x0  }
0xba: {  	s6 =	simm.s32 $0x14600;
	[sflag:s3] =	ssyncadd.s32 $0xFFFFE000  }
0xbb: {  	[spmem:s21] =	stream.indirect.scatter.add.f32 [tilespmem:s19], [sflag:$0x2], $0x40, s6, s5, $0xb8;
	[tilespmem:$0x14700] =	vst v63  }
0xbc: {  	_ =	swait.ge [sflag:s3], $0x2000  }
0xbd: {  	[sflag:s3] =	ssyncset.done $0x0  }
0xbe: {  	s4 =	simm.s32 $0x14680;
	[sflag:s3] =	ssyncadd.s32 $0xFFFFE000  }
0xbf: {  	[spmem:s21] =	stream.indirect.scatter.add.f32 [tilespmem:s28], [sflag:$0x2], $0x40, s4, s5, $0xb8;
	[tilespmem:$0x14700] =	vst v63  }
0xc0: {  	p1 =	sne.s32 s14, $0x1;
	_ =	swait.ge [sflag:s3], $0x2000;
	[dreg:$0xf] =	wrdreg s25  }
.Ltmp1:
0xc1: {  	[dreg:$0x10] =	wrdreg s13;
	[sflag:s3] =	ssyncset.done $0x0;
	(pc) =	sbr.rel @!p1 .LBB2_7-.Ltmp1, $4  }
0xc2: {  	s29 =	rddreg [dreg:$0xc];
	[sflag:s3] =	ssyncadd.s32 $0xFFFFE000  }
0xc3: {  	[hbm:s29], [sflag:s25] =	dma.local [spmem:s13], $0x800  }
0xc4: {  	p0 =	por $0x1, $0x1;
	_ =	swait.ge [sflag:s3], $0x800  }
0xc5: {  	s28 =	sadd.s32 $0xFFFFFFFF, s14;
	s29 =	rddreg [dreg:$0x4];
	[sflag:s3] =	ssyncset.done $0x0  }
0xc6: {  	s20 =	simm.s32 $0x400  }
0xc7: {  	s30 =	simm.s32 $0x100;
	s14 =	simm.s32 $0x4400;
	s15 =	simm.s32 $0x6400  }
0xc8: {  	s1 =	simm.s32 $0x200;
	s18 =	simm.s32 $0x8400;
	s16 =	simm.s32 $0xA400  }
0xc9: {  	s19 =	simm.s32 $0xC400;
	s17 =	simm.s32 $0x380;
	s26 =	simm.s32 $0xE400  }
.LBB2_4:
0xca: {  	[sflag:s3] =	ssyncadd.s32 $0xFFFFF800  }
0xcb: {  	[tilespmem:s11], [sflag:$0x2] =	stream.linear.gather [hbm4b:s29+s2], $0x80, $0x38;
	[tilespmem:$0x14700] =	vst v63  }
0xcc: {  	_ =	swait.ge [sflag:s3], $0x80  }
0xcd: {  	[sflag:s3] =	ssyncset.done $0x0  }
0xce: {  	s29 =	rddreg [dreg:$0x5];
	[sflag:s3] =	ssyncadd.s32 $0xFFFFFF80  }
0xcf: {  	[tilespmem:s10], [sflag:$0x2] =	stream.linear.gather [hbm4b:s29+s2], $0x80, $0x38;
	[tilespmem:$0x14700] =	vst v63  }
0xd0: {  	_ =	swait.ge [sflag:s3], $0x80  }
0xd1: {  	[sflag:s3] =	ssyncset.done $0x0  }
0xd2: {  	s29 =	rddreg [dreg:$0x6];
	[sflag:s3] =	ssyncadd.s32 $0xFFFFFF80  }
0xd3: {  	[tilespmem:s9], [sflag:$0x2] =	stream.linear.gather [hbm4b:s29+s2], $0x80, $0x38;
	[tilespmem:$0x14700] =	vst v63  }
0xd4: {  	_ =	swait.ge [sflag:s3], $0x80  }
0xd5: {  	[sflag:s3] =	ssyncset.done $0x0  }
0xd6: {  	s29 =	rddreg [dreg:$0x7];
	[sflag:s3] =	ssyncadd.s32 $0xFFFFFF80  }
0xd7: {  	[tilespmem:s7], [sflag:$0x2] =	stream.linear.gather [hbm4b:s29+s2], $0x80, $0x38;
	[tilespmem:$0x14700] =	vst v63  }
0xd8: {  	_ =	swait.ge [sflag:s3], $0x80  }
0xd9: {  	[sflag:s3] =	ssyncset.done $0x0  }
0xda: {  	s29 =	rddreg [dreg:$0x8];
	[sflag:s3] =	ssyncadd.s32 $0xFFFFFF80  }
0xdb: {  	[tilespmem:s6], [sflag:$0x2] =	stream.linear.gather [hbm4b:s29+s2], $0x80, $0x38;
	[tilespmem:$0x14700] =	vst v63  }
0xdc: {  	_ =	swait.ge [sflag:s3], $0x80  }
0xdd: {  	[sflag:s3] =	ssyncset.done $0x0  }
0xde: {  	s29 =	rddreg [dreg:$0x9];
	[sflag:s3] =	ssyncadd.s32 $0xFFFFFF80  }
0xdf: {  	[tilespmem:s4], [sflag:$0x2] =	stream.linear.gather [hbm4b:s29+s2], $0x80, $0x38;
	[tilespmem:$0x14700] =	vst v63  }
0xe0: {  	_ =	swait.ge [sflag:s3], $0x80  }
0xe1: {  	[sflag:s3] =	ssyncset.done $0x0  }
0xe2: {  	s29 =	rddreg [dreg:$0xa];
	[sflag:s3] =	ssyncadd.s32 $0xFFFFFF80  }
0xe3: {  	[tilespmem:s2], [sflag:$0x2] =	stream.linear.gather [hbm4b:s29+s2], $0x400, $0x38;
	[tilespmem:$0x14700] =	vst v63  }
0xe4: {  	_ =	swait.ge [sflag:s3], $0x400  }
0xe5: {  	[sflag:s3] =	ssyncset.done $0x0  }
0xe6: {  	[sflag:s3] =	ssyncadd.s32 $0xFFFFFC00  }
0xe7: {  	[tilespmem:s20], [sflag:$0x1] =	stream.indirect.gather [hbm4b:s31+s5], $0x40, s2, s5, $0xb8;
	[tilespmem:$0x14700] =	vst v63  }
0xe8: {  	s0 =	rddreg [dreg:$0x14];
	s31 =	simm.s32 $0x2400  }
0xe9: {  	[tilespmem:s31], [sflag:$0x1] =	stream.indirect.gather [hbm4b:s0+s5], $0x40, s5, s5, $0xb8;
	[tilespmem:$0x14700] =	vst v63  }
0xea: {  	s22 =	rddreg [dreg:$0x13]  }
0xeb: {  	[tilespmem:s14], [sflag:$0x1] =	stream.indirect.gather [hbm4b:s22+s5], $0x40, s30, s5, $0xb8;
	[tilespmem:$0x14700] =	vst v63  }
0xec: {  	s0 =	simm.s32 $0x180  }
0xed: {  	[tilespmem:s15], [sflag:$0x1] =	stream.indirect.gather [hbm4b:s22+s5], $0x40, s0, s5, $0xb8;
	[tilespmem:$0x14700] =	vst v63  }
0xee: {  	s23 =	rddreg [dreg:$0x11]  }
0xef: {  	[tilespmem:s18], [sflag:$0x1] =	stream.indirect.gather [hbm4b:s23+s5], $0x40, s1, s5, $0xb8;
	[tilespmem:$0x14700] =	vst v63  }
0xf0: {  	s4 =	simm.s32 $0x280  }
0xf1: {  	[tilespmem:s16], [sflag:$0x1] =	stream.indirect.gather [hbm4b:s23+s5], $0x40, s4, s5, $0xb8;
	[tilespmem:$0x14700] =	vst v63  }
0xf2: {  	s6 =	simm.s32 $0x300;
	s8 =	rddreg [dreg:$0x12]  }
0xf3: {  	[tilespmem:s19], [sflag:$0x1] =	stream.indirect.gather [hbm4b:s8+s5], $0x40, s6, s5, $0xb8;
	[tilespmem:$0x14700] =	vst v63  }
0xf4: {  	_ = 	snop  }
0xf5: {  	[tilespmem:s26], [sflag:$0x1] =	stream.indirect.gather [hbm4b:s8+s5], $0x40, s17, s5, $0xb8;
	[tilespmem:$0x14700] =	vst v63  }
0xf6: {  	_ =	swait.ge [sflag:s24], $0x2000  }
0xf7: {  	[sflag:s24] =	ssyncset.done $0x0  }
0xf8: {  	[sflag:s24] =	ssyncadd.s32 $0xFFFFE000  }
0xf9: {  	_ =	swait.ge [sflag:s24], $0x2000  }
0xfa: {  	[sflag:s24] =	ssyncset.done $0x0  }
0xfb: {  	[sflag:s24] =	ssyncadd.s32 $0xFFFFE000  }
0xfc: {  	_ =	swait.ge [sflag:s24], $0x2000  }
0xfd: {  	[sflag:s24] =	ssyncset.done $0x0  }
0xfe: {  	[sflag:s24] =	ssyncadd.s32 $0xFFFFE000  }
0xff: {  	_ =	swait.ge [sflag:s24], $0x2000  }
0x100: {  	[sflag:s24] =	ssyncset.done $0x0  }
0x101: {  	[sflag:s24] =	ssyncadd.s32 $0xFFFFE000  }
0x102: {  	_ =	swait.ge [sflag:s24], $0x2000  }
0x103: {  	[sflag:s24] =	ssyncset.done $0x0  }
0x104: {  	[sflag:s24] =	ssyncadd.s32 $0xFFFFE000  }
0x105: {  	_ =	swait.ge [sflag:s24], $0x2000  }
0x106: {  	[sflag:s24] =	ssyncset.done $0x0  }
0x107: {  	[sflag:s24] =	ssyncadd.s32 $0xFFFFE000  }
0x108: {  	_ =	swait.ge [sflag:s24], $0x2000  }
0x109: {  	[sflag:s24] =	ssyncset.done $0x0  }
0x10a: {  	[sflag:s24] =	ssyncadd.s32 $0xFFFFE000  }
0x10b: {  	_ =	swait.ge [sflag:s24], $0x2000  }
0x10c: {  	[sflag:s24] =	ssyncset.done $0x0  }
0x10d: {  	s25 =	rddreg [dreg:$0xe];
	[sflag:s24] =	ssyncadd.s32 $0xFFFFE000  }
0x10e: {  	[spmem:s25] =	stream.linear.scatter [tilespmem:s20], [sflag:$0x2], $0x4000, $0x38;
	[tilespmem:$0x14700] =	vst v63  }
0x10f: {  	_ =	swait.ge [sflag:s3], $0x4000  }
0x110: {  	[sflag:s3] =	ssyncset.done $0x0  }
0x111: {  	s12 =	simm.s32 $0x14400;
	[sflag:s3] =	ssyncadd.s32 $0xFFFFC000  }
0x112: {  	[spmem:s21] =	stream.indirect.scatter.add.f32 [tilespmem:s14], [sflag:$0x2], $0x40, s12, s5, $0xb8;
	[tilespmem:$0x14700] =	vst v63  }
0x113: {  	s12 =	rddreg [dreg:$0xe];
	_ =	swait.ge [sflag:s3], $0x2000  }
0x114: {  	[sflag:s3] =	ssyncset.done $0x0  }
0x115: {  	s10 =	simm.s32 $0x14480;
	[sflag:s3] =	ssyncadd.s32 $0xFFFFE000  }
0x116: {  	[spmem:s21] =	stream.indirect.scatter.add.f32 [tilespmem:s15], [sflag:$0x2], $0x40, s10, s5, $0xb8;
	[tilespmem:$0x14700] =	vst v63  }
0x117: {  	_ =	swait.ge [sflag:s3], $0x2000  }
0x118: {  	[sflag:s3] =	ssyncset.done $0x0  }
0x119: {  	s9 =	simm.s32 $0x14500;
	[sflag:s3] =	ssyncadd.s32 $0xFFFFE000  }
0x11a: {  	[spmem:s21] =	stream.indirect.scatter.add.f32 [tilespmem:s18], [sflag:$0x2], $0x40, s9, s5, $0xb8;
	[tilespmem:$0x14700] =	vst v63  }
0x11b: {  	_ =	swait.ge [sflag:s3], $0x2000  }
0x11c: {  	[sflag:s3] =	ssyncset.done $0x0  }
0x11d: {  	s7 =	simm.s32 $0x14580;
	[sflag:s3] =	ssyncadd.s32 $0xFFFFE000  }
0x11e: {  	[spmem:s21] =	stream.indirect.scatter.add.f32 [tilespmem:s16], [sflag:$0x2], $0x40, s7, s5, $0xb8;
	[tilespmem:$0x14700] =	vst v63  }
0x11f: {  	_ =	swait.ge [sflag:s3], $0x2000  }
0x120: {  	[sflag:s3] =	ssyncset.done $0x0  }
0x121: {  	s13 =	simm.s32 $0x14600;
	[sflag:s3] =	ssyncadd.s32 $0xFFFFE000  }
0x122: {  	[spmem:s21] =	stream.indirect.scatter.add.f32 [tilespmem:s19], [sflag:$0x2], $0x40, s13, s5, $0xb8;
	[tilespmem:$0x14700] =	vst v63  }
0x123: {  	_ =	swait.ge [sflag:s3], $0x2000  }
0x124: {  	[sflag:s3] =	ssyncset.done $0x0  }
0x125: {  	s29 =	simm.s32 $0x14680;
	[sflag:s3] =	ssyncadd.s32 $0xFFFFE000  }
0x126: {  	[spmem:s21] =	stream.indirect.scatter.add.f32 [tilespmem:s26], [sflag:$0x2], $0x40, s29, s5, $0xb8;
	[tilespmem:$0x14700] =	vst v63  }
0x127: {  	_ =	swait.ge [sflag:s3], $0x2000  }
0x128: {  	s29 =	rddreg [dreg:$0xd]  }
0x129: {  	[sflag:s3] =	ssyncset.done $0x0;
	s25 =	rddreg [dreg:$0xf]  }
0x12a: {  	s13 =	rddreg [dreg:$0x10];
	[sflag:s3] =	ssyncadd.s32 $0xFFFFE000  }
0x12b: {  	[hbm:s29], [sflag:s25] =	dma.local [spmem:s13], $0x800  }
0x12c: {  	_ =	swait.ge [sflag:s3], $0x800  }
0x12d: {  	[sflag:s3] =	ssyncset.done $0x0  }
0x12e: {  	s29 =	rddreg [dreg:$0xb];
	[sflag:s3] =	ssyncadd.s32 $0xFFFFF800  }
0x12f: {  	[tilespmem:s2], [sflag:$0x2] =	stream.linear.gather [hbm4b:s29+s2], $0x400, $0x38;
	[tilespmem:$0x14700] =	vst v63  }
0x130: {  	_ =	swait.ge [sflag:s3], $0x400  }
0x131: {  	[sflag:s3] =	ssyncset.done $0x0  }
0x132: {  	s29 =	rddreg [dreg:$0x14];
	[sflag:s3] =	ssyncadd.s32 $0xFFFFFC00  }
0x133: {  	[tilespmem:s20], [sflag:$0x1] =	stream.indirect.gather [hbm4b:s29+s5], $0x40, s2, s5, $0xb8;
	[tilespmem:$0x14700] =	vst v63  }
0x134: {  	s29 =	rddreg [dreg:$0x14]  }
0x135: {  	[tilespmem:s31], [sflag:$0x1] =	stream.indirect.gather [hbm4b:s29+s5], $0x40, s5, s5, $0xb8;
	[tilespmem:$0x14700] =	vst v63  }
0x136: {  	_ = 	snop  }
0x137: {  	[tilespmem:s14], [sflag:$0x1] =	stream.indirect.gather [hbm4b:s22+s5], $0x40, s30, s5, $0xb8;
	[tilespmem:$0x14700] =	vst v63  }
0x138: {  	_ = 	snop  }
0x139: {  	[tilespmem:s15], [sflag:$0x1] =	stream.indirect.gather [hbm4b:s22+s5], $0x40, s0, s5, $0xb8;
	[tilespmem:$0x14700] =	vst v63  }
0x13a: {  	_ = 	snop  }
0x13b: {  	[tilespmem:s18], [sflag:$0x1] =	stream.indirect.gather [hbm4b:s23+s5], $0x40, s1, s5, $0xb8;
	[tilespmem:$0x14700] =	vst v63  }
0x13c: {  	_ = 	snop  }
0x13d: {  	[tilespmem:s16], [sflag:$0x1] =	stream.indirect.gather [hbm4b:s23+s5], $0x40, s4, s5, $0xb8;
	[tilespmem:$0x14700] =	vst v63  }
0x13e: {  	_ = 	snop  }
0x13f: {  	[tilespmem:s19], [sflag:$0x1] =	stream.indirect.gather [hbm4b:s8+s5], $0x40, s6, s5, $0xb8;
	[tilespmem:$0x14700] =	vst v63  }
0x140: {  	_ = 	snop  }
0x141: {  	[tilespmem:s26], [sflag:$0x1] =	stream.indirect.gather [hbm4b:s8+s5], $0x40, s17, s5, $0xb8;
	[tilespmem:$0x14700] =	vst v63  }
0x142: {  	s31 =	rddreg [dreg:$0x14];
	_ =	swait.ge [sflag:s24], $0x2000  }
0x143: {  	[sflag:s24] =	ssyncset.done $0x0  }
0x144: {  	[sflag:s24] =	ssyncadd.s32 $0xFFFFE000  }
0x145: {  	_ =	swait.ge [sflag:s24], $0x2000  }
0x146: {  	[sflag:s24] =	ssyncset.done $0x0  }
0x147: {  	[sflag:s24] =	ssyncadd.s32 $0xFFFFE000  }
0x148: {  	_ =	swait.ge [sflag:s24], $0x2000  }
0x149: {  	[sflag:s24] =	ssyncset.done $0x0  }
0x14a: {  	[sflag:s24] =	ssyncadd.s32 $0xFFFFE000  }
0x14b: {  	_ =	swait.ge [sflag:s24], $0x2000  }
0x14c: {  	[sflag:s24] =	ssyncset.done $0x0  }
0x14d: {  	[sflag:s24] =	ssyncadd.s32 $0xFFFFE000  }
0x14e: {  	_ =	swait.ge [sflag:s24], $0x2000  }
0x14f: {  	[sflag:s24] =	ssyncset.done $0x0  }
0x150: {  	[sflag:s24] =	ssyncadd.s32 $0xFFFFE000  }
0x151: {  	_ =	swait.ge [sflag:s24], $0x2000  }
0x152: {  	[sflag:s24] =	ssyncset.done $0x0  }
0x153: {  	[sflag:s24] =	ssyncadd.s32 $0xFFFFE000  }
0x154: {  	_ =	swait.ge [sflag:s24], $0x2000  }
0x155: {  	[sflag:s24] =	ssyncset.done $0x0  }
0x156: {  	[sflag:s24] =	ssyncadd.s32 $0xFFFFE000  }
0x157: {  	_ =	swait.ge [sflag:s24], $0x2000  }
0x158: {  	[sflag:s24] =	ssyncset.done $0x0  }
0x159: {  	[sflag:s24] =	ssyncadd.s32 $0xFFFFE000  }
0x15a: {  	[spmem:s12] =	stream.linear.scatter [tilespmem:s20], [sflag:$0x2], $0x4000, $0x38;
	[tilespmem:$0x14700] =	vst v63  }
0x15b: {  	_ =	swait.ge [sflag:s3], $0x4000  }
0x15c: {  	[sflag:s3] =	ssyncset.done $0x0  }
0x15d: {  	s11 =	simm.s32 $0x14400;
	[sflag:s3] =	ssyncadd.s32 $0xFFFFC000  }
0x15e: {  	[spmem:s21] =	stream.indirect.scatter.add.f32 [tilespmem:s14], [sflag:$0x2], $0x40, s11, s5, $0xb8;
	[tilespmem:$0x14700] =	vst v63  }
0x15f: {  	_ =	swait.ge [sflag:s3], $0x2000  }
0x160: {  	[sflag:s3] =	ssyncset.done $0x0  }
0x161: {  	s10 =	simm.s32 $0x14480;
	[sflag:s3] =	ssyncadd.s32 $0xFFFFE000  }
0x162: {  	[spmem:s21] =	stream.indirect.scatter.add.f32 [tilespmem:s15], [sflag:$0x2], $0x40, s10, s5, $0xb8;
	[tilespmem:$0x14700] =	vst v63  }
0x163: {  	_ =	swait.ge [sflag:s3], $0x2000  }
0x164: {  	[sflag:s3] =	ssyncset.done $0x0  }
0x165: {  	s9 =	simm.s32 $0x14500;
	[sflag:s3] =	ssyncadd.s32 $0xFFFFE000  }
0x166: {  	[spmem:s21] =	stream.indirect.scatter.add.f32 [tilespmem:s18], [sflag:$0x2], $0x40, s9, s5, $0xb8;
	[tilespmem:$0x14700] =	vst v63  }
0x167: {  	_ =	swait.ge [sflag:s3], $0x2000  }
0x168: {  	[sflag:s3] =	ssyncset.done $0x0  }
0x169: {  	s7 =	simm.s32 $0x14580;
	[sflag:s3] =	ssyncadd.s32 $0xFFFFE000  }
0x16a: {  	[spmem:s21] =	stream.indirect.scatter.add.f32 [tilespmem:s16], [sflag:$0x2], $0x40, s7, s5, $0xb8;
	[tilespmem:$0x14700] =	vst v63  }
0x16b: {  	_ =	swait.ge [sflag:s3], $0x2000  }
0x16c: {  	[sflag:s3] =	ssyncset.done $0x0  }
0x16d: {  	s6 =	simm.s32 $0x14600;
	[sflag:s3] =	ssyncadd.s32 $0xFFFFE000  }
0x16e: {  	[spmem:s21] =	stream.indirect.scatter.add.f32 [tilespmem:s19], [sflag:$0x2], $0x40, s6, s5, $0xb8;
	[tilespmem:$0x14700] =	vst v63  }
0x16f: {  	_ =	swait.ge [sflag:s3], $0x2000  }
0x170: {  	[sflag:s3] =	ssyncset.done $0x0  }
0x171: {  	s4 =	simm.s32 $0x14680;
	[sflag:s3] =	ssyncadd.s32 $0xFFFFE000  }
0x172: {  	[spmem:s21] =	stream.indirect.scatter.add.f32 [tilespmem:s26], [sflag:$0x2], $0x40, s4, s5, $0xb8;
	[tilespmem:$0x14700] =	vst v63  }
0x173: {  	p1 =	sne.s32 s28, $0x1;
	_ =	swait.ge [sflag:s3], $0x2000  }
.Ltmp2:
0x174: {  	[sflag:s3] =	ssyncset.done $0x0;
	(pc) =	sbr.rel @p1 .LBB2_4-.Ltmp2, $4  }
0x175: {  	s29 =	rddreg [dreg:$0xc];
	[sflag:s3] =	ssyncadd.s32 $0xFFFFE000  }
0x176: {  	[hbm:s29], [sflag:s25] =	dma.local [spmem:s13], $0x800  }
0x177: {  	_ =	swait.ge [sflag:s3], $0x800  }
0x178: {  	s28 =	sadd.s32 $0xFFFFFFFF, s28;
	s29 =	rddreg [dreg:$0x4];
	[sflag:s3] =	ssyncset.done $0x0  }
0x179: {  	s28 =	rddreg [dreg:$0xd]  }
0x17a: {  	s30 =	stileid.u32;
	s14 =	simm.s32 $0xE400;
	s15 =	simm.s32 $0xC400  }
0x17b: {  	s16 =	simm.s32 $0xA400;
	s17 =	simm.s32 $0x6400;
	s22 =	rddreg [dreg:$0x13]  }
0x17c: {  	s18 =	simm.s32 $0x8400;
	s19 =	simm.s32 $0x4400;
	s23 =	rddreg [dreg:$0x11]  }
0x17d: {  	s20 =	simm.s32 $0x400;
	s8 =	rddreg [dreg:$0x12];
	s2 =	simm.s32 $0x0  }
.LBB2_6:
0x17e: {  	[sflag:s3] =	ssyncadd.s32 @p0 $0xFFFFF800  }
0x17f: {  	[tilespmem:s11], [sflag:$0x2] =	stream.linear.gather [hbm4b:s29+s2], $0x80, $0x38;
	[tilespmem:$0x14700] =	vst v63  }
0x180: {  	_ =	swait.ge [sflag:s3], $0x80  }
0x181: {  	[sflag:s3] =	ssyncset.done $0x0  }
0x182: {  	s25 =	rddreg [dreg:$0x5];
	[sflag:s3] =	ssyncadd.s32 $0xFFFFFF80  }
0x183: {  	[tilespmem:s10], [sflag:$0x2] =	stream.linear.gather [hbm4b:s25+s2], $0x80, $0x38;
	[tilespmem:$0x14700] =	vst v63  }
0x184: {  	_ =	swait.ge [sflag:s3], $0x80  }
0x185: {  	[sflag:s3] =	ssyncset.done $0x0  }
0x186: {  	s26 =	rddreg [dreg:$0x6];
	[sflag:s3] =	ssyncadd.s32 $0xFFFFFF80  }
0x187: {  	[tilespmem:s9], [sflag:$0x2] =	stream.linear.gather [hbm4b:s26+s2], $0x80, $0x38;
	[tilespmem:$0x14700] =	vst v63  }
0x188: {  	_ =	swait.ge [sflag:s3], $0x80  }
0x189: {  	[sflag:s3] =	ssyncset.done $0x0  }
0x18a: {  	s29 =	rddreg [dreg:$0x7];
	[sflag:s3] =	ssyncadd.s32 $0xFFFFFF80  }
0x18b: {  	[tilespmem:s7], [sflag:$0x2] =	stream.linear.gather [hbm4b:s29+s2], $0x80, $0x38;
	[tilespmem:$0x14700] =	vst v63  }
0x18c: {  	_ =	swait.ge [sflag:s3], $0x80  }
0x18d: {  	[sflag:s3] =	ssyncset.done $0x0  }
0x18e: {  	s0 =	rddreg [dreg:$0x8];
	[sflag:s3] =	ssyncadd.s32 $0xFFFFFF80  }
0x18f: {  	[tilespmem:s6], [sflag:$0x2] =	stream.linear.gather [hbm4b:s0+s2], $0x80, $0x38;
	[tilespmem:$0x14700] =	vst v63  }
0x190: {  	_ =	swait.ge [sflag:s3], $0x80  }
0x191: {  	[sflag:s3] =	ssyncset.done $0x0  }
0x192: {  	s1 =	rddreg [dreg:$0x9];
	[sflag:s3] =	ssyncadd.s32 $0xFFFFFF80  }
0x193: {  	[tilespmem:s4], [sflag:$0x2] =	stream.linear.gather [hbm4b:s1+s2], $0x80, $0x38;
	[tilespmem:$0x14700] =	vst v63  }
0x194: {  	_ =	swait.ge [sflag:s3], $0x80  }
0x195: {  	[sflag:s3] =	ssyncset.done $0x0  }
0x196: {  	s13 =	rddreg [dreg:$0xa];
	[sflag:s3] =	ssyncadd.s32 $0xFFFFFF80  }
0x197: {  	[tilespmem:s2], [sflag:$0x2] =	stream.linear.gather [hbm4b:s13+s2], $0x400, $0x38;
	[tilespmem:$0x14700] =	vst v63  }
0x198: {  	_ =	swait.ge [sflag:s3], $0x400  }
0x199: {  	[sflag:s3] =	ssyncset.done $0x0  }
0x19a: {  	[sflag:s3] =	ssyncadd.s32 $0xFFFFFC00  }
0x19b: {  	[tilespmem:s20], [sflag:$0x1] =	stream.indirect.gather [hbm4b:s31+s5], $0x40, s2, s5, $0xb8;
	[tilespmem:$0x14700] =	vst v63  }
0x19c: {  	s13 =	smov.u32 s31;
	s31 =	simm.s32 $0x2400  }
0x19d: {  	[tilespmem:s31], [sflag:$0x1] =	stream.indirect.gather [hbm4b:s13+s5], $0x40, s5, s5, $0xb8;
	[tilespmem:$0x14700] =	vst v63  }
0x19e: {  	s0 =	simm.s32 $0x100  }
0x19f: {  	[tilespmem:s19], [sflag:$0x1] =	stream.indirect.gather [hbm4b:s22+s5], $0x40, s0, s5, $0xb8;
	[tilespmem:$0x14700] =	vst v63  }
0x1a0: {  	s1 =	simm.s32 $0x180  }
0x1a1: {  	[tilespmem:s17], [sflag:$0x1] =	stream.indirect.gather [hbm4b:s22+s5], $0x40, s1, s5, $0xb8;
	[tilespmem:$0x14700] =	vst v63  }
0x1a2: {  	s29 =	simm.s32 $0x200  }
0x1a3: {  	[tilespmem:s18], [sflag:$0x1] =	stream.indirect.gather [hbm4b:s23+s5], $0x40, s29, s5, $0xb8;
	[tilespmem:$0x14700] =	vst v63  }
0x1a4: {  	s26 =	simm.s32 $0x280  }
0x1a5: {  	[tilespmem:s16], [sflag:$0x1] =	stream.indirect.gather [hbm4b:s23+s5], $0x40, s26, s5, $0xb8;
	[tilespmem:$0x14700] =	vst v63  }
0x1a6: {  	s26 =	simm.s32 $0x300  }
0x1a7: {  	[tilespmem:s15], [sflag:$0x1] =	stream.indirect.gather [hbm4b:s8+s5], $0x40, s26, s5, $0xb8;
	[tilespmem:$0x14700] =	vst v63  }
0x1a8: {  	s26 =	simm.s32 $0x380  }
0x1a9: {  	[tilespmem:s14], [sflag:$0x1] =	stream.indirect.gather [hbm4b:s8+s5], $0x40, s26, s5, $0xb8;
	[tilespmem:$0x14700] =	vst v63  }
0x1aa: {  	_ =	swait.ge [sflag:s24], $0x2000  }
0x1ab: {  	[sflag:s24] =	ssyncset.done $0x0  }
0x1ac: {  	[sflag:s24] =	ssyncadd.s32 $0xFFFFE000  }
0x1ad: {  	_ =	swait.ge [sflag:s24], $0x2000  }
0x1ae: {  	[sflag:s24] =	ssyncset.done $0x0  }
0x1af: {  	[sflag:s24] =	ssyncadd.s32 $0xFFFFE000  }
0x1b0: {  	_ =	swait.ge [sflag:s24], $0x2000  }
0x1b1: {  	[sflag:s24] =	ssyncset.done $0x0  }
0x1b2: {  	[sflag:s24] =	ssyncadd.s32 $0xFFFFE000  }
0x1b3: {  	_ =	swait.ge [sflag:s24], $0x2000  }
0x1b4: {  	[sflag:s24] =	ssyncset.done $0x0  }
0x1b5: {  	[sflag:s24] =	ssyncadd.s32 $0xFFFFE000  }
0x1b6: {  	_ =	swait.ge [sflag:s24], $0x2000  }
0x1b7: {  	[sflag:s24] =	ssyncset.done $0x0  }
0x1b8: {  	[sflag:s24] =	ssyncadd.s32 $0xFFFFE000  }
0x1b9: {  	_ =	swait.ge [sflag:s24], $0x2000  }
0x1ba: {  	[sflag:s24] =	ssyncset.done $0x0  }
0x1bb: {  	[sflag:s24] =	ssyncadd.s32 $0xFFFFE000  }
0x1bc: {  	_ =	swait.ge [sflag:s24], $0x2000  }
0x1bd: {  	[sflag:s24] =	ssyncset.done $0x0  }
0x1be: {  	[sflag:s24] =	ssyncadd.s32 $0xFFFFE000  }
0x1bf: {  	_ =	swait.ge [sflag:s24], $0x2000  }
0x1c0: {  	[sflag:s24] =	ssyncset.done $0x0  }
0x1c1: {  	[sflag:s24] =	ssyncadd.s32 $0xFFFFE000  }
0x1c2: {  	[spmem:s12] =	stream.linear.scatter [tilespmem:s20], [sflag:$0x2], $0x4000, $0x38;
	[tilespmem:$0x14700] =	vst v63  }
0x1c3: {  	_ =	swait.ge [sflag:s3], $0x4000  }
0x1c4: {  	[sflag:s3] =	ssyncset.done $0x0  }
0x1c5: {  	[sflag:s3] =	ssyncadd.s32 $0xFFFFC000  }
0x1c6: {  	[spmem:s21] =	stream.indirect.scatter.add.f32 [tilespmem:s19], [sflag:$0x2], $0x40, s11, s5, $0xb8;
	[tilespmem:$0x14700] =	vst v63  }
0x1c7: {  	_ =	swait.ge [sflag:s3], $0x2000  }
0x1c8: {  	[sflag:s3] =	ssyncset.done $0x0  }
0x1c9: {  	[sflag:s3] =	ssyncadd.s32 $0xFFFFE000  }
0x1ca: {  	[spmem:s21] =	stream.indirect.scatter.add.f32 [tilespmem:s17], [sflag:$0x2], $0x40, s10, s5, $0xb8;
	[tilespmem:$0x14700] =	vst v63  }
0x1cb: {  	_ =	swait.ge [sflag:s3], $0x2000  }
0x1cc: {  	[sflag:s3] =	ssyncset.done $0x0  }
0x1cd: {  	[sflag:s3] =	ssyncadd.s32 $0xFFFFE000  }
0x1ce: {  	[spmem:s21] =	stream.indirect.scatter.add.f32 [tilespmem:s18], [sflag:$0x2], $0x40, s9, s5, $0xb8;
	[tilespmem:$0x14700] =	vst v63  }
0x1cf: {  	_ =	swait.ge [sflag:s3], $0x2000  }
0x1d0: {  	[sflag:s3] =	ssyncset.done $0x0  }
0x1d1: {  	[sflag:s3] =	ssyncadd.s32 $0xFFFFE000  }
0x1d2: {  	[spmem:s21] =	stream.indirect.scatter.add.f32 [tilespmem:s16], [sflag:$0x2], $0x40, s7, s5, $0xb8;
	[tilespmem:$0x14700] =	vst v63  }
0x1d3: {  	_ =	swait.ge [sflag:s3], $0x2000  }
0x1d4: {  	[sflag:s3] =	ssyncset.done $0x0  }
0x1d5: {  	[sflag:s3] =	ssyncadd.s32 $0xFFFFE000  }
0x1d6: {  	[spmem:s21] =	stream.indirect.scatter.add.f32 [tilespmem:s15], [sflag:$0x2], $0x40, s6, s5, $0xb8;
	[tilespmem:$0x14700] =	vst v63  }
0x1d7: {  	_ =	swait.ge [sflag:s3], $0x2000  }
0x1d8: {  	[sflag:s3] =	ssyncset.done $0x0  }
0x1d9: {  	[sflag:s3] =	ssyncadd.s32 $0xFFFFE000  }
0x1da: {  	[spmem:s21] =	stream.indirect.scatter.add.f32 [tilespmem:s14], [sflag:$0x2], $0x40, s4, s5, $0xb8;
	[tilespmem:$0x14700] =	vst v63  }
0x1db: {  	_ =	swait.ge [sflag:s3], $0x2000  }
0x1dc: {  	s30 =	sshll.u32 s30, $0x6;
	[sflag:s3] =	ssyncset.done $0x0  }
0x1dd: {  	s25 =	sor.u32 $0x1C02, s30;
	s26 =	sshrl.u32 s12, $0x3;
	[sflag:s3] =	ssyncadd.s32 $0xFFFFE000  }
0x1de: {  	[hbm:s28], [sflag:s25] =	dma.local [spmem:s26], $0x800  }
0x1df: {  	_ =	swait.ge [sflag:s3], $0x800  }
0x1e0: {  	[sflag:s3] =	ssyncset.done $0x0  }
0x1e1: {  	s28 =	rddreg [dreg:$0xb];
	[sflag:s3] =	ssyncadd.s32 $0xFFFFF800  }
0x1e2: {  	[tilespmem:s2], [sflag:$0x2] =	stream.linear.gather [hbm4b:s28+s2], $0x400, $0x38;
	[tilespmem:$0x14700] =	vst v63  }
0x1e3: {  	_ =	swait.ge [sflag:s3], $0x400  }
0x1e4: {  	[sflag:s3] =	ssyncset.done $0x0  }
0x1e5: {  	[sflag:s3] =	ssyncadd.s32 $0xFFFFFC00  }
0x1e6: {  	[tilespmem:s20], [sflag:$0x1] =	stream.indirect.gather [hbm4b:s13+s5], $0x40, s2, s5, $0xb8;
	[tilespmem:$0x14700] =	vst v63  }
0x1e7: {  	_ = 	snop  }
0x1e8: {  	[tilespmem:s31], [sflag:$0x1] =	stream.indirect.gather [hbm4b:s13+s5], $0x40, s5, s5, $0xb8;
	[tilespmem:$0x14700] =	vst v63  }
0x1e9: {  	_ = 	snop  }
0x1ea: {  	[tilespmem:s19], [sflag:$0x1] =	stream.indirect.gather [hbm4b:s22+s5], $0x40, s0, s5, $0xb8;
	[tilespmem:$0x14700] =	vst v63  }
0x1eb: {  	_ = 	snop  }
0x1ec: {  	[tilespmem:s17], [sflag:$0x1] =	stream.indirect.gather [hbm4b:s22+s5], $0x40, s1, s5, $0xb8;
	[tilespmem:$0x14700] =	vst v63  }
0x1ed: {  	_ = 	snop  }
0x1ee: {  	[tilespmem:s18], [sflag:$0x1] =	stream.indirect.gather [hbm4b:s23+s5], $0x40, s29, s5, $0xb8;
	[tilespmem:$0x14700] =	vst v63  }
0x1ef: {  	s22 =	simm.s32 $0x280  }
0x1f0: {  	[tilespmem:s16], [sflag:$0x1] =	stream.indirect.gather [hbm4b:s23+s5], $0x40, s22, s5, $0xb8;
	[tilespmem:$0x14700] =	vst v63  }
0x1f1: {  	s28 =	simm.s32 $0x300  }
0x1f2: {  	[tilespmem:s15], [sflag:$0x1] =	stream.indirect.gather [hbm4b:s8+s5], $0x40, s28, s5, $0xb8;
	[tilespmem:$0x14700] =	vst v63  }
0x1f3: {  	s29 =	simm.s32 $0x380  }
0x1f4: {  	[tilespmem:s14], [sflag:$0x1] =	stream.indirect.gather [hbm4b:s8+s5], $0x40, s29, s5, $0xb8;
	[tilespmem:$0x14700] =	vst v63  }
0x1f5: {  	_ =	swait.ge [sflag:s24], $0x2000  }
0x1f6: {  	[sflag:s24] =	ssyncset.done $0x0  }
0x1f7: {  	[sflag:s24] =	ssyncadd.s32 $0xFFFFE000  }
0x1f8: {  	_ =	swait.ge [sflag:s24], $0x2000  }
0x1f9: {  	[sflag:s24] =	ssyncset.done $0x0  }
0x1fa: {  	[sflag:s24] =	ssyncadd.s32 $0xFFFFE000  }
0x1fb: {  	_ =	swait.ge [sflag:s24], $0x2000  }
0x1fc: {  	[sflag:s24] =	ssyncset.done $0x0  }
0x1fd: {  	[sflag:s24] =	ssyncadd.s32 $0xFFFFE000  }
0x1fe: {  	_ =	swait.ge [sflag:s24], $0x2000  }
0x1ff: {  	[sflag:s24] =	ssyncset.done $0x0  }
0x200: {  	[sflag:s24] =	ssyncadd.s32 $0xFFFFE000  }
0x201: {  	_ =	swait.ge [sflag:s24], $0x2000  }
0x202: {  	[sflag:s24] =	ssyncset.done $0x0  }
0x203: {  	[sflag:s24] =	ssyncadd.s32 $0xFFFFE000  }
0x204: {  	_ =	swait.ge [sflag:s24], $0x2000  }
0x205: {  	[sflag:s24] =	ssyncset.done $0x0  }
0x206: {  	[sflag:s24] =	ssyncadd.s32 $0xFFFFE000  }
0x207: {  	_ =	swait.ge [sflag:s24], $0x2000  }
0x208: {  	[sflag:s24] =	ssyncset.done $0x0  }
0x209: {  	[sflag:s24] =	ssyncadd.s32 $0xFFFFE000  }
0x20a: {  	_ =	swait.ge [sflag:s24], $0x2000  }
0x20b: {  	[sflag:s24] =	ssyncset.done $0x0  }
0x20c: {  	[sflag:s24] =	ssyncadd.s32 $0xFFFFE000  }
0x20d: {  	[spmem:s12] =	stream.linear.scatter [tilespmem:s20], [sflag:$0x2], $0x4000, $0x38;
	[tilespmem:$0x14700] =	vst v63  }
0x20e: {  	_ =	swait.ge [sflag:s3], $0x4000  }
0x20f: {  	[sflag:s3] =	ssyncset.done $0x0  }
0x210: {  	[sflag:s3] =	ssyncadd.s32 $0xFFFFC000  }
0x211: {  	[spmem:s21] =	stream.indirect.scatter.add.f32 [tilespmem:s19], [sflag:$0x2], $0x40, s11, s5, $0xb8;
	[tilespmem:$0x14700] =	vst v63  }
0x212: {  	_ =	swait.ge [sflag:s3], $0x2000  }
0x213: {  	[sflag:s3] =	ssyncset.done $0x0  }
0x214: {  	[sflag:s3] =	ssyncadd.s32 $0xFFFFE000  }
0x215: {  	[spmem:s21] =	stream.indirect.scatter.add.f32 [tilespmem:s17], [sflag:$0x2], $0x40, s10, s5, $0xb8;
	[tilespmem:$0x14700] =	vst v63  }
0x216: {  	_ =	swait.ge [sflag:s3], $0x2000  }
0x217: {  	[sflag:s3] =	ssyncset.done $0x0  }
0x218: {  	[sflag:s3] =	ssyncadd.s32 $0xFFFFE000  }
0x219: {  	[spmem:s21] =	stream.indirect.scatter.add.f32 [tilespmem:s18], [sflag:$0x2], $0x40, s9, s5, $0xb8;
	[tilespmem:$0x14700] =	vst v63  }
0x21a: {  	_ =	swait.ge [sflag:s3], $0x2000  }
0x21b: {  	[sflag:s3] =	ssyncset.done $0x0  }
0x21c: {  	[sflag:s3] =	ssyncadd.s32 $0xFFFFE000  }
0x21d: {  	[spmem:s21] =	stream.indirect.scatter.add.f32 [tilespmem:s16], [sflag:$0x2], $0x40, s7, s5, $0xb8;
	[tilespmem:$0x14700] =	vst v63  }
0x21e: {  	_ =	swait.ge [sflag:s3], $0x2000  }
0x21f: {  	[sflag:s3] =	ssyncset.done $0x0  }
0x220: {  	[sflag:s3] =	ssyncadd.s32 $0xFFFFE000  }
0x221: {  	[spmem:s21] =	stream.indirect.scatter.add.f32 [tilespmem:s15], [sflag:$0x2], $0x40, s6, s5, $0xb8;
	[tilespmem:$0x14700] =	vst v63  }
0x222: {  	_ =	swait.ge [sflag:s3], $0x2000  }
0x223: {  	[sflag:s3] =	ssyncset.done $0x0  }
0x224: {  	[sflag:s3] =	ssyncadd.s32 $0xFFFFE000  }
0x225: {  	[spmem:s21] =	stream.indirect.scatter.add.f32 [tilespmem:s14], [sflag:$0x2], $0x40, s4, s5, $0xb8;
	[tilespmem:$0x14700] =	vst v63  }
0x226: {  	_ =	swait.ge [sflag:s3], $0x2000  }
0x227: {  	[sflag:s3] =	ssyncset.done $0x0  }
0x228: {  	s31 =	rddreg [dreg:$0xc];
	[sflag:s3] =	ssyncadd.s32 $0xFFFFE000  }
0x229: {  	[hbm:s31], [sflag:s25] =	dma.local [spmem:s26], $0x800  }
0x22a: {  	_ =	swait.ge [sflag:s3], $0x800  }
0x22b: {  	[sflag:s3] =	ssyncset.done $0x0  }
0x22c: {  	[sflag:s3] =	ssyncadd.s32 $0xFFFFF800  }
0x22d: {  	_ =	sfence.sel $0x180000  }
0x22e: {  	[bflag:$0x0] =	sbarrier.arrive $0xFFFF  }
0x22f: {  	_ =	strace $0x90000047  }
0x230: {  	s30 =	stileid.u32;
	[bflag:$0x2] =	sbarrier.arrive $0xFFFF  }
0x231: {  	p0 =	sne.s32 s30, $0x0;
	s0 =	rddreg [dreg:$0x3]  }
0x232: {  	s0 =	sadd.s32 @!p0 $0x100000, s0  }
0x233: {  	[sflag:s0] =	ssyncadd.tile.s32 @!p0 $0x1;
	_ =	shalt  }
.LBB2_1:
.Ltmp3:
0x234: {  	(pc) =	sbr.rel .LBB2_6-.Ltmp3, $2  }
0x235: {  	_ =	sdelay $0x2  }
0x236: {  	s28 =	rddreg [dreg:$0xd]  }
.LBB2_7:
.Ltmp4:
0x237: {  	s28 =	rddreg [dreg:$0xd];
	(pc) =	sbr.rel .LBB2_6-.Ltmp4, $4  }
0x238: {  	s30 =	stileid.u32;
	s14 =	simm.s32 $0xE400;
	s15 =	simm.s32 $0xC400  }
0x239: {  	s16 =	simm.s32 $0xA400;
	s17 =	simm.s32 $0x6400;
	s22 =	rddreg [dreg:$0x13]  }
0x23a: {  	s18 =	simm.s32 $0x8400;
	s19 =	simm.s32 $0x4400;
	s23 =	rddreg [dreg:$0x11]  }
0x23b: {  	s20 =	simm.s32 $0x400;
	s8 =	rddreg [dreg:$0x12];
	s2 =	simm.s32 $0x0  }
.Lfunc_end2:
_tile_overlayer_lowered:
.L_overlay_start_2:
0x23c: {  	(tag) =	ssettag $0x2  }
0x23d: {  	s0 =	rddreg [dreg:$0x0];
	s2 =	stileid.u32  }
0x23e: {  	s1 =	rddreg [dreg:$0x1];
	p0 =	sne.s32 s2, $0x0  }
0x23f: {  	s3 =	rddreg [dreg:$0x2];
	[bflag:$0x3] =	sbarrier.arrive $0xFFFF;
	s2 =	simm.s32 @!p0 $0x1C02  }
0x240: {  	[timem:s3], [sflag:s2] =	dma.local @!p0 [hbm:s0], s1  }
0x241: {  	s0 =	simm.s32 @!p0 $0x2  }
0x242: {  	_ =	swait.ge @!p0 [sflag:s0], s1  }
0x243: {  	s1 =	ssub.s32 @!p0 $0x0, s1;
	[sflag:s0] =	ssyncset.done @!p0 $0x0  }
0x244: {  	[sflag:s0] =	ssyncadd.s32 @!p0 s1  }
0x245: {  	[bflag:$0x3] =	sbarrier.arrive $0xFFFF  }
0x246: {  	_ =	shalt  }

</sc_bundles>
